<compile_context>
chip_gen: v7x
topology: tpu7x:2x2x1
jax: 0.10.2.dev20260603
libtpu: 0.0.44.dev20260713+nightly
codegen_flags: <defaults>
</compile_context>

<pallas_src>
import functools

import jax
import jax.numpy as jnp
from jax import lax
from jax.experimental import pallas as pl
from jax.experimental.pallas import tpu as pltpu
from jax.experimental.pallas import tpu_sc as plsc

NG = 8192
D = 32
NS = 16384
BETA = 0.99
WIDTH = 128
XB = 512
NW = 32
ROWS_PER_W = NS // NW
CHUNK = 128
NCHUNK = ROWS_PER_W // CHUNK
STRIPE = NG // 16



GB = 128
NGC = NG // GB


def _assign_body(x_ref, gf_ref, out_ref, xaug_ref, gfn_ref):
    i = pl.program_id(0)

    @pl.when(i == 0)
    def _():
        gf = gf_ref[...]
        nn = jnp.sqrt(jnp.sum(gf * gf, axis=1, keepdims=True))
        gfn_ref[...] = gf / jnp.maximum(nn, 1e-12)

    x = x_ref[...]
    xaug_ref[...] = jnp.concatenate(
        [x, jnp.ones((XB, 1), jnp.float32),
         jnp.zeros((XB, WIDTH - D - 1), jnp.float32)], axis=1)
    n = jnp.sqrt(jnp.sum(x * x, axis=1, keepdims=True))
    xn = x / jnp.maximum(n, 1e-12)

    m_run = jnp.full((XB, GB), -jnp.inf, jnp.float32)
    c_run = jnp.zeros((XB, GB), jnp.float32)
    for c in range(NGC):
        chunk = lax.dot_general(
            xn, gfn_ref[c * GB:(c + 1) * GB, :], (((1,), (1,)), ((), ())),
            preferred_element_type=jnp.float32)
        better = chunk > m_run
        c_run = jnp.where(better, jnp.float32(c), c_run)
        m_run = jnp.maximum(chunk, m_run)

    m = jnp.max(m_run, axis=-1, keepdims=True)
    lane = lax.broadcasted_iota(jnp.int32, (XB, GB), 1).astype(jnp.float32)
    j = c_run * GB + lane
    loc = jnp.min(jnp.where(m_run == m, j, jnp.float32(NG)), axis=-1)
    out_ref[0] = loc.astype(jnp.int32).reshape(XB // CHUNK, CHUNK)


def _assign(x, gf):
    grid = NS // XB
    rpb = XB // CHUNK
    return pl.pallas_call(
        _assign_body,
        grid=(grid,),
        in_specs=[
            pl.BlockSpec((XB, D), lambda i: (i, 0)),
            pl.BlockSpec((NG, D), lambda i: (0, 0)),
        ],
        out_specs=[
            pl.BlockSpec((1, rpb, CHUNK), lambda i: (i, 0, 0)),
            pl.BlockSpec((XB, WIDTH), lambda i: (i, 0)),
        ],
        out_shape=[
            jax.ShapeDtypeStruct((grid, rpb, CHUNK), jnp.int32),
            jax.ShapeDtypeStruct((NS, WIDTH), jnp.float32),
        ],
        scratch_shapes=[pltpu.VMEM((NG, D), jnp.float32)],
    )(x, gf)



@functools.lru_cache(maxsize=1)
def _make_scatter():
    mesh = plsc.VectorSubcoreMesh(core_axis_name="c", subcore_axis_name="s")

    @functools.partial(
        pl.kernel,
        mesh=mesh,
        out_type=jax.ShapeDtypeStruct((2 * NG, WIDTH), jnp.float32),
        scratch_types=[
            pltpu.VMEM((NCHUNK, CHUNK), jnp.int32),
            pltpu.VMEM((CHUNK, WIDTH), jnp.float32),
            pltpu.VMEM((CHUNK, WIDTH), jnp.float32),
            pltpu.SemaphoreType.DMA,
            pltpu.SemaphoreType.DMA,
            pltpu.VMEM_SHARED((NG, WIDTH), jnp.float32),
        ],
    )
    def scatter(xaug_hbm, asn_hbm, out_hbm, idx_v, buf0, buf1, sem0, sem1,
                table_sh):
        c = lax.axis_index("c")
        s = lax.axis_index("s")
        wid = s * 2 + c
        base = wid * ROWS_PER_W
        bufs = (buf0, buf1)
        sems = (sem0, sem1)

        zv = jnp.zeros((16,), jnp.float32)

        def zrow(r, carry):
            for k in range(WIDTH // 16):
                buf0[r, pl.ds(k * 16, 16)] = zv
            return carry

        lax.fori_loop(0, CHUNK, zrow, 0)
        for q in range(STRIPE // CHUNK):
            pltpu.sync_copy(buf0, table_sh.at[pl.ds(s * STRIPE + q * CHUNK, CHUNK)])
        pltpu.sync_copy(asn_hbm.at[wid], idx_v)
        plsc.subcore_barrier()

        copies = [None] * NCHUNK
        copies[0] = pltpu.async_copy(
            xaug_hbm.at[pl.ds(base, CHUNK)], bufs[0], sems[0])
        for q in range(NCHUNK):
            copies[q].wait()
            if q + 1 < NCHUNK:
                copies[q + 1] = pltpu.async_copy(
                    xaug_hbm.at[pl.ds(base + (q + 1) * CHUNK, CHUNK)],
                    bufs[(q + 1) % 2], sems[(q + 1) % 2])
            pltpu.sync_copy(bufs[q % 2], table_sh.at[idx_v.at[q]], add=True)
        plsc.subcore_barrier()

        nst = STRIPE // CHUNK
        stores = [None] * nst
        for q in range(nst):
            if q >= 2:
                stores[q - 2].wait()
            pltpu.sync_copy(table_sh.at[pl.ds(s * STRIPE + q * CHUNK, CHUNK)],
                            bufs[q % 2])
            stores[q] = pltpu.async_copy(
                bufs[q % 2],
                out_hbm.at[pl.ds(c * NG + s * STRIPE + q * CHUNK, CHUNK)],
                sems[q % 2])
        for q in range(nst - 2, nst):
            stores[q].wait()

    return scatter



def _combine_body(gf_ref, t0_ref, t1_ref, out_ref):
    gf = gf_ref[...]
    t = t0_ref[...] + t1_ref[...]
    sums = t[:, :D]
    counts = t[:, D:D + 1]
    upd = BETA * gf + (1.0 - BETA) * sums / jnp.maximum(counts, 1.0)
    g = jnp.where(counts > 0, upd, gf)
    n = jnp.sqrt(jnp.sum(g * g, axis=1, keepdims=True))
    out_ref[...] = g / jnp.maximum(n, 1e-12)


_COMBINE_NBLK = 8


def _combine(gf, table):
    nblk = _COMBINE_NBLK
    blk = NG // nblk
    return pl.pallas_call(
        _combine_body,
        grid=(nblk,),
        in_specs=[
            pl.BlockSpec((blk, D), lambda i: (i, 0)),
            pl.BlockSpec((blk, WIDTH), lambda i: (i, 0)),
            pl.BlockSpec((blk, WIDTH), lambda i: (i + nblk, 0)),
        ],
        out_specs=pl.BlockSpec((blk, D), lambda i: (i, 0)),
        out_shape=jax.ShapeDtypeStruct((NG, D), jnp.float32),
    )(gf, table, table)


def kernel(x, group_features):
    asn, xaug = _assign(x, group_features)
    table = _make_scatter()(xaug, asn)
    return _combine(group_features, table)

# --- scband reference (transcript-rebuilt; emitter-appended) ---
"""Pipeline reference for scband-smo-g-73023033966956 (READ-ONLY COPY).

The authoritative reference and input builder live on the scoring server;
editing this copy changes nothing except your own understanding.
"""

import jax, jax.numpy as jnp
import numpy as np

N_GROUPS = 8192
DIM = 32
BETA = 0.99
N_SAMPLES = 16384


def _l2_normalize(a, eps=1e-12):
    # matches torch.nn.functional.normalize(a, p=2, dim=1)
    n = jnp.linalg.norm(a, axis=1, keepdims=True)
    return a / jnp.maximum(n, eps)


def setup_inputs(seed: int = 0) -> dict:
    key = jax.random.key(seed)
    k1, k2 = jax.random.split(key)
    x = jax.random.normal(k1, (N_SAMPLES, DIM), dtype=jnp.float32)
    # torch.rand(n_groups, dim) -> uniform [0, 1)
    group_features = jax.random.uniform(k2, (N_GROUPS, DIM), dtype=jnp.float32)
    return {"x": x, "group_features": group_features}


def reference(x, group_features):
    # ---- assign_groups (no_grad in torch) ----
    xn = _l2_normalize(x)
    gfn = _l2_normalize(group_features)
    logits = xn @ gfn.T
    assignments = jnp.argmax(logits, axis=-1)

    # ---- update_groups ----
    counts = jnp.bincount(assignments, length=N_GROUPS)
    # torch: group_features[nonzero(bincount)] *= beta  (scale rows with nonzero count)
    scale = jnp.where(counts > 0, BETA, 1.0).astype(group_features.dtype)
    gf = group_features * scale[:, None]
    # torch loop: for index, xi in zip(assignments, x): gf[index] += factor * xi / bincount[index]
    factor = 1.0 - BETA
    contrib = factor * x / counts[assignments].astype(x.dtype)[:, None]
    gf = gf.at[assignments].add(contrib)
    # final F.normalize
    return _l2_normalize(gf)

if __name__ == "__main__":
    import jax
    _d = setup_inputs()
    print(jax.jit(kernel)(*tuple(_d.values())))

</pallas_src>

<mosaic_0001>
#map = affine_map<(d0, d1) -> (0, 0)>
#map1 = affine_map<(d0, d1) -> (0, 0, 0)>
module attributes {stable_mosaic.version = 14 : i64} {
  func.func @scatter(%arg0: i32, %arg1: i32, %arg2: memref<16384x128xf32, #tpu.memory_space<hbm>>, %arg3: memref<32x4x128xi32, #tpu.memory_space<hbm>>, %arg4: memref<16384x128xf32, #tpu.memory_space<hbm>>, %arg5: memref<4x128xi32, #tpu.memory_space<vmem>>, %arg6: memref<128x128xf32, #tpu.memory_space<vmem>>, %arg7: memref<128x128xf32, #tpu.memory_space<vmem>>, %arg8: memref<!tpu.dma_semaphore, #tpu.memory_space<semaphore_mem>>, %arg9: memref<!tpu.dma_semaphore, #tpu.memory_space<semaphore_mem>>, %arg10: memref<8192x128xf32, #tpu.memory_space<vmem_shared>>) attributes {dimension_semantics = [#tpu.dimension_semantics<core_parallel>, #tpu.dimension_semantics<subcore_parallel>], iteration_bounds = array<i64: 2, 16>, scalar_prefetch = 0 : i64, scratch_operands = 6 : i64, tpu.core_type = #tpu.core_type<sc_vector_subcore>, window_params = [{transform_indices = #map}, {transform_indices = #map1}, {transform_indices = #map}]} {
    %mul3A = arith.constant 2 : i32
    %mul3A_0 = arith.muli %arg1, %mul3A : i32
    %add3A = arith.addi %mul3A_0, %arg0 : i32
    %mul3A_1 = arith.constant 512 : i32
    %mul3A_2 = arith.muli %add3A, %mul3A_1 : i32
    %broadcast_in_dim3A = arith.constant 0.000000e+00 : f32
    %broadcast_in_dim3A_3 = vector.broadcast %broadcast_in_dim3A : f32 to vector<16xf32>
    %scan3A = arith.constant 0 : i32
    %scan3A_4 = arith.constant 0 : i32
    %scan3A_5 = arith.constant 128 : i32
    %scan3A_6 = arith.addi %scan3A_4, %scan3A_5 : i32
    %scan3A_7 = arith.constant 1 : i32
    scf.for %scan3A_141 = %scan3A_4 to %scan3A_6 step %scan3A_7  : i32 {
      %swap3A = arith.index_cast %scan3A_141 : i32 to index
      %swap3A_142 = arith.constant 0 : index
      %swap3A_143 = tpu.vector_load %arg6[%swap3A, %swap3A_142] {strides = array<i32>} : memref<128x128xf32, #tpu.memory_space<vmem>>, vector<1x16xf32>,
      %swap3A_144 = vector.shape_cast %swap3A_143 : vector<1x16xf32> to vector<16xf32>
      %swap3A_145 = vector.shape_cast %broadcast_in_dim3A_3 : vector<16xf32> to vector<1x16xf32>
      tpu.vector_store %arg6[%swap3A, %swap3A_142], %swap3A_145 {strides = array<i32>} : memref<128x128xf32, #tpu.memory_space<vmem>>, vector<1x16xf32>,
      %swap3A_146 = arith.index_cast %scan3A_141 : i32 to index
      %swap3A_147 = arith.constant 16 : index
      %swap3A_148 = tpu.vector_load %arg6[%swap3A_146, %swap3A_147] {strides = array<i32>} : memref<128x128xf32, #tpu.memory_space<vmem>>, vector<1x16xf32>,
      %swap3A_149 = vector.shape_cast %swap3A_148 : vector<1x16xf32> to vector<16xf32>
      %swap3A_150 = vector.shape_cast %broadcast_in_dim3A_3 : vector<16xf32> to vector<1x16xf32>
      tpu.vector_store %arg6[%swap3A_146, %swap3A_147], %swap3A_150 {strides = array<i32>} : memref<128x128xf32, #tpu.memory_space<vmem>>, vector<1x16xf32>,
      %swap3A_151 = arith.index_cast %scan3A_141 : i32 to index
      %swap3A_152 = arith.constant 32 : index
      %swap3A_153 = tpu.vector_load %arg6[%swap3A_151, %swap3A_152] {strides = array<i32>} : memref<128x128xf32, #tpu.memory_space<vmem>>, vector<1x16xf32>,
      %swap3A_154 = vector.shape_cast %swap3A_153 : vector<1x16xf32> to vector<16xf32>
      %swap3A_155 = vector.shape_cast %broadcast_in_dim3A_3 : vector<16xf32> to vector<1x16xf32>
      tpu.vector_store %arg6[%swap3A_151, %swap3A_152], %swap3A_155 {strides = array<i32>} : memref<128x128xf32, #tpu.memory_space<vmem>>, vector<1x16xf32>,
      %swap3A_156 = arith.index_cast %scan3A_141 : i32 to index
      %swap3A_157 = arith.constant 48 : index
      %swap3A_158 = tpu.vector_load %arg6[%swap3A_156, %swap3A_157] {strides = array<i32>} : memref<128x128xf32, #tpu.memory_space<vmem>>, vector<1x16xf32>,
      %swap3A_159 = vector.shape_cast %swap3A_158 : vector<1x16xf32> to vector<16xf32>
      %swap3A_160 = vector.shape_cast %broadcast_in_dim3A_3 : vector<16xf32> to vector<1x16xf32>
      tpu.vector_store %arg6[%swap3A_156, %swap3A_157], %swap3A_160 {strides = array<i32>} : memref<128x128xf32, #tpu.memory_space<vmem>>, vector<1x16xf32>,
      %swap3A_161 = arith.index_cast %scan3A_141 : i32 to index
      %swap3A_162 = arith.constant 64 : index
      %swap3A_163 = tpu.vector_load %arg6[%swap3A_161, %swap3A_162] {strides = array<i32>} : memref<128x128xf32, #tpu.memory_space<vmem>>, vector<1x16xf32>,
      %swap3A_164 = vector.shape_cast %swap3A_163 : vector<1x16xf32> to vector<16xf32>
      %swap3A_165 = vector.shape_cast %broadcast_in_dim3A_3 : vector<16xf32> to vector<1x16xf32>
      tpu.vector_store %arg6[%swap3A_161, %swap3A_162], %swap3A_165 {strides = array<i32>} : memref<128x128xf32, #tpu.memory_space<vmem>>, vector<1x16xf32>,
      %swap3A_166 = arith.index_cast %scan3A_141 : i32 to index
      %swap3A_167 = arith.constant 80 : index
      %swap3A_168 = tpu.vector_load %arg6[%swap3A_166, %swap3A_167] {strides = array<i32>} : memref<128x128xf32, #tpu.memory_space<vmem>>, vector<1x16xf32>,
      %swap3A_169 = vector.shape_cast %swap3A_168 : vector<1x16xf32> to vector<16xf32>
      %swap3A_170 = vector.shape_cast %broadcast_in_dim3A_3 : vector<16xf32> to vector<1x16xf32>
      tpu.vector_store %arg6[%swap3A_166, %swap3A_167], %swap3A_170 {strides = array<i32>} : memref<128x128xf32, #tpu.memory_space<vmem>>, vector<1x16xf32>,
      %swap3A_171 = arith.index_cast %scan3A_141 : i32 to index
      %swap3A_172 = arith.constant 96 : index
      %swap3A_173 = tpu.vector_load %arg6[%swap3A_171, %swap3A_172] {strides = array<i32>} : memref<128x128xf32, #tpu.memory_space<vmem>>, vector<1x16xf32>,
      %swap3A_174 = vector.shape_cast %swap3A_173 : vector<1x16xf32> to vector<16xf32>
      %swap3A_175 = vector.shape_cast %broadcast_in_dim3A_3 : vector<16xf32> to vector<1x16xf32>
      tpu.vector_store %arg6[%swap3A_171, %swap3A_172], %swap3A_175 {strides = array<i32>} : memref<128x128xf32, #tpu.memory_space<vmem>>, vector<1x16xf32>,
      %swap3A_176 = arith.index_cast %scan3A_141 : i32 to index
      %swap3A_177 = arith.constant 112 : index
      %swap3A_178 = tpu.vector_load %arg6[%swap3A_176, %swap3A_177] {strides = array<i32>} : memref<128x128xf32, #tpu.memory_space<vmem>>, vector<1x16xf32>,
      %swap3A_179 = vector.shape_cast %swap3A_178 : vector<1x16xf32> to vector<16xf32>
      %swap3A_180 = vector.shape_cast %broadcast_in_dim3A_3 : vector<16xf32> to vector<1x16xf32>
      tpu.vector_store %arg6[%swap3A_176, %swap3A_177], %swap3A_180 {strides = array<i32>} : memref<128x128xf32, #tpu.memory_space<vmem>>, vector<1x16xf32>,
    }
    %scan3A_8 = arith.constant 128 : i32
    %mul3A_9 = arith.constant 512 : i32
    %mul3A_10 = arith.muli %arg1, %mul3A_9 : i32
    %add3A_11 = arith.constant 0 : i32
    %add3A_12 = arith.addi %mul3A_10, %add3A_11 : i32
    "tpu.region"() ({
      %run_scoped3A_141 = tpu.sem_alloc : memref<!tpu.dma_semaphore, #tpu.memory_space<semaphore_mem>>
      %dma_start3A_142 = arith.constant 0 : i32
      %dma_start3A_143 = tpu.memref_slice %arg10[%add3A_12, %dma_start3A_142] : memref<8192x128xf32, #tpu.memory_space<vmem_shared>> -> memref<128x128xf32, #tpu.memory_space<vmem_shared>>
      %dma_start3A_144 = arith.constant 0 : i32
      %dma_start3A_145 = tpu.memref_slice %arg10[%add3A_12, %dma_start3A_144] : memref<8192x128xf32, #tpu.memory_space<vmem_shared>> -> memref<128x128xf32, #tpu.memory_space<vmem_shared>>
      tpu.enqueue_dma source(%arg6 : memref<128x128xf32, #tpu.memory_space<vmem>>) target(%dma_start3A_145 : memref<128x128xf32, #tpu.memory_space<vmem_shared>>) target_semaphore(%run_scoped3A_141 : memref<!tpu.dma_semaphore, #tpu.memory_space<semaphore_mem>>)
      %dma_wait3A_146 = arith.constant 0 : i32
      %dma_wait3A_147 = tpu.memref_slice %arg10[%add3A_12, %dma_wait3A_146] : memref<8192x128xf32, #tpu.memory_space<vmem_shared>> -> memref<128x128xf32, #tpu.memory_space<vmem_shared>>
      %dma_wait3A_148 = arith.constant 0 : i32
      %dma_wait3A_149 = tpu.memref_slice %arg10[%add3A_12, %dma_wait3A_148] : memref<8192x128xf32, #tpu.memory_space<vmem_shared>> -> memref<128x128xf32, #tpu.memory_space<vmem_shared>>
      tpu.wait_dma2 semaphore(%run_scoped3A_141 : memref<!tpu.dma_semaphore, #tpu.memory_space<semaphore_mem>>) src(%arg6 : memref<128x128xf32, #tpu.memory_space<vmem>>) dst(%dma_wait3A_149 : memref<128x128xf32, #tpu.memory_space<vmem_shared>>)
      tpu.yield
    }) : () -> ()
    %mul3A_13 = arith.constant 512 : i32
    %mul3A_14 = arith.muli %arg1, %mul3A_13 : i32
    %add3A_15 = arith.constant 128 : i32
    %add3A_16 = arith.addi %mul3A_14, %add3A_15 : i32
    "tpu.region"() ({
      %run_scoped3A_141 = tpu.sem_alloc : memref<!tpu.dma_semaphore, #tpu.memory_space<semaphore_mem>>
      %dma_start3A_142 = arith.constant 0 : i32
      %dma_start3A_143 = tpu.memref_slice %arg10[%add3A_16, %dma_start3A_142] : memref<8192x128xf32, #tpu.memory_space<vmem_shared>> -> memref<128x128xf32, #tpu.memory_space<vmem_shared>>
      %dma_start3A_144 = arith.constant 0 : i32
      %dma_start3A_145 = tpu.memref_slice %arg10[%add3A_16, %dma_start3A_144] : memref<8192x128xf32, #tpu.memory_space<vmem_shared>> -> memref<128x128xf32, #tpu.memory_space<vmem_shared>>
      tpu.enqueue_dma source(%arg6 : memref<128x128xf32, #tpu.memory_space<vmem>>) target(%dma_start3A_145 : memref<128x128xf32, #tpu.memory_space<vmem_shared>>) target_semaphore(%run_scoped3A_141 : memref<!tpu.dma_semaphore, #tpu.memory_space<semaphore_mem>>)
      %dma_wait3A_146 = arith.constant 0 : i32
      %dma_wait3A_147 = tpu.memref_slice %arg10[%add3A_16, %dma_wait3A_146] : memref<8192x128xf32, #tpu.memory_space<vmem_shared>> -> memref<128x128xf32, #tpu.memory_space<vmem_shared>>
      %dma_wait3A_148 = arith.constant 0 : i32
      %dma_wait3A_149 = tpu.memref_slice %arg10[%add3A_16, %dma_wait3A_148] : memref<8192x128xf32, #tpu.memory_space<vmem_shared>> -> memref<128x128xf32, #tpu.memory_space<vmem_shared>>
      tpu.wait_dma2 semaphore(%run_scoped3A_141 : memref<!tpu.dma_semaphore, #tpu.memory_space<semaphore_mem>>) src(%arg6 : memref<128x128xf32, #tpu.memory_space<vmem>>) dst(%dma_wait3A_149 : memref<128x128xf32, #tpu.memory_space<vmem_shared>>)
      tpu.yield
    }) : () -> ()
    %mul3A_17 = arith.constant 512 : i32
    %mul3A_18 = arith.muli %arg1, %mul3A_17 : i32
    %add3A_19 = arith.constant 256 : i32
    %add3A_20 = arith.addi %mul3A_18, %add3A_19 : i32
    "tpu.region"() ({
      %run_scoped3A_141 = tpu.sem_alloc : memref<!tpu.dma_semaphore, #tpu.memory_space<semaphore_mem>>
      %dma_start3A_142 = arith.constant 0 : i32
      %dma_start3A_143 = tpu.memref_slice %arg10[%add3A_20, %dma_start3A_142] : memref<8192x128xf32, #tpu.memory_space<vmem_shared>> -> memref<128x128xf32, #tpu.memory_space<vmem_shared>>
      %dma_start3A_144 = arith.constant 0 : i32
      %dma_start3A_145 = tpu.memref_slice %arg10[%add3A_20, %dma_start3A_144] : memref<8192x128xf32, #tpu.memory_space<vmem_shared>> -> memref<128x128xf32, #tpu.memory_space<vmem_shared>>
      tpu.enqueue_dma source(%arg6 : memref<128x128xf32, #tpu.memory_space<vmem>>) target(%dma_start3A_145 : memref<128x128xf32, #tpu.memory_space<vmem_shared>>) target_semaphore(%run_scoped3A_141 : memref<!tpu.dma_semaphore, #tpu.memory_space<semaphore_mem>>)
      %dma_wait3A_146 = arith.constant 0 : i32
      %dma_wait3A_147 = tpu.memref_slice %arg10[%add3A_20, %dma_wait3A_146] : memref<8192x128xf32, #tpu.memory_space<vmem_shared>> -> memref<128x128xf32, #tpu.memory_space<vmem_shared>>
      %dma_wait3A_148 = arith.constant 0 : i32
      %dma_wait3A_149 = tpu.memref_slice %arg10[%add3A_20, %dma_wait3A_148] : memref<8192x128xf32, #tpu.memory_space<vmem_shared>> -> memref<128x128xf32, #tpu.memory_space<vmem_shared>>
      tpu.wait_dma2 semaphore(%run_scoped3A_141 : memref<!tpu.dma_semaphore, #tpu.memory_space<semaphore_mem>>) src(%arg6 : memref<128x128xf32, #tpu.memory_space<vmem>>) dst(%dma_wait3A_149 : memref<128x128xf32, #tpu.memory_space<vmem_shared>>)
      tpu.yield
    }) : () -> ()
    %mul3A_21 = arith.constant 512 : i32
    %mul3A_22 = arith.muli %arg1, %mul3A_21 : i32
    %add3A_23 = arith.constant 384 : i32
    %add3A_24 = arith.addi %mul3A_22, %add3A_23 : i32
    "tpu.region"() ({
      %run_scoped3A_141 = tpu.sem_alloc : memref<!tpu.dma_semaphore, #tpu.memory_space<semaphore_mem>>
      %dma_start3A_142 = arith.constant 0 : i32
      %dma_start3A_143 = tpu.memref_slice %arg10[%add3A_24, %dma_start3A_142] : memref<8192x128xf32, #tpu.memory_space<vmem_shared>> -> memref<128x128xf32, #tpu.memory_space<vmem_shared>>
      %dma_start3A_144 = arith.constant 0 : i32
      %dma_start3A_145 = tpu.memref_slice %arg10[%add3A_24, %dma_start3A_144] : memref<8192x128xf32, #tpu.memory_space<vmem_shared>> -> memref<128x128xf32, #tpu.memory_space<vmem_shared>>
      tpu.enqueue_dma source(%arg6 : memref<128x128xf32, #tpu.memory_space<vmem>>) target(%dma_start3A_145 : memref<128x128xf32, #tpu.memory_space<vmem_shared>>) target_semaphore(%run_scoped3A_141 : memref<!tpu.dma_semaphore, #tpu.memory_space<semaphore_mem>>)
      %dma_wait3A_146 = arith.constant 0 : i32
      %dma_wait3A_147 = tpu.memref_slice %arg10[%add3A_24, %dma_wait3A_146] : memref<8192x128xf32, #tpu.memory_space<vmem_shared>> -> memref<128x128xf32, #tpu.memory_space<vmem_shared>>
      %dma_wait3A_148 = arith.constant 0 : i32
      %dma_wait3A_149 = tpu.memref_slice %arg10[%add3A_24, %dma_wait3A_148] : memref<8192x128xf32, #tpu.memory_space<vmem_shared>> -> memref<128x128xf32, #tpu.memory_space<vmem_shared>>
      tpu.wait_dma2 semaphore(%run_scoped3A_141 : memref<!tpu.dma_semaphore, #tpu.memory_space<semaphore_mem>>) src(%arg6 : memref<128x128xf32, #tpu.memory_space<vmem>>) dst(%dma_wait3A_149 : memref<128x128xf32, #tpu.memory_space<vmem_shared>>)
      tpu.yield
    }) : () -> ()
    "tpu.region"() ({
      %run_scoped3A_141 = tpu.sem_alloc : memref<!tpu.dma_semaphore, #tpu.memory_space<semaphore_mem>>
      %dma_start3A_142 = arith.constant 0 : i32
      %dma_start3A_143 = arith.constant 0 : i32
      %dma_start3A_144 = tpu.memref_slice %arg3[%add3A, %dma_start3A_142, %dma_start3A_143] : memref<32x4x128xi32, #tpu.memory_space<hbm>> -> memref<1x4x128xi32, #tpu.memory_space<hbm>>
      %dma_start3A_145 = tpu.memref_squeeze %dma_start3A_144 : memref<1x4x128xi32, #tpu.memory_space<hbm>> -> memref<4x128xi32, #tpu.memory_space<hbm>>
      %dma_start3A_146 = arith.constant 0 : i32
      %dma_start3A_147 = arith.constant 0 : i32
      %dma_start3A_148 = tpu.memref_slice %arg3[%add3A, %dma_start3A_146, %dma_start3A_147] : memref<32x4x128xi32, #tpu.memory_space<hbm>> -> memref<1x4x128xi32, #tpu.memory_space<hbm>>
      %dma_start3A_149 = tpu.memref_squeeze %dma_start3A_148 : memref<1x4x128xi32, #tpu.memory_space<hbm>> -> memref<4x128xi32, #tpu.memory_space<hbm>>
      tpu.enqueue_dma source(%dma_start3A_149 : memref<4x128xi32, #tpu.memory_space<hbm>>) target(%arg5 : memref<4x128xi32, #tpu.memory_space<vmem>>) target_semaphore(%run_scoped3A_141 : memref<!tpu.dma_semaphore, #tpu.memory_space<semaphore_mem>>)
      %dma_wait3A_150 = arith.constant 0 : i32
      %dma_wait3A_151 = arith.constant 0 : i32
      %dma_wait3A_152 = tpu.memref_slice %arg3[%add3A, %dma_wait3A_150, %dma_wait3A_151] : memref<32x4x128xi32, #tpu.memory_space<hbm>> -> memref<1x4x128xi32, #tpu.memory_space<hbm>>
      %dma_wait3A_153 = tpu.memref_squeeze %dma_wait3A_152 : memref<1x4x128xi32, #tpu.memory_space<hbm>> -> memref<4x128xi32, #tpu.memory_space<hbm>>
      %dma_wait3A_154 = arith.constant 0 : i32
      %dma_wait3A_155 = arith.constant 0 : i32
      %dma_wait3A_156 = tpu.memref_slice %arg3[%add3A, %dma_wait3A_154, %dma_wait3A_155] : memref<32x4x128xi32, #tpu.memory_space<hbm>> -> memref<1x4x128xi32, #tpu.memory_space<hbm>>
      %dma_wait3A_157 = tpu.memref_squeeze %dma_wait3A_156 : memref<1x4x128xi32, #tpu.memory_space<hbm>> -> memref<4x128xi32, #tpu.memory_space<hbm>>
      tpu.wait_dma2 semaphore(%run_scoped3A_141 : memref<!tpu.dma_semaphore, #tpu.memory_space<semaphore_mem>>) src(%dma_wait3A_157 : memref<4x128xi32, #tpu.memory_space<hbm>>) dst(%arg5 : memref<4x128xi32, #tpu.memory_space<vmem>>)
      tpu.yield
    }) : () -> ()
    %barrier3A = arith.constant 0 : index
    tpu.barrier barrier_id(%barrier3A)
    %dma_start3A = arith.constant 0 : i32
    %dma_start3A_25 = tpu.memref_slice %arg2[%mul3A_2, %dma_start3A] : memref<16384x128xf32, #tpu.memory_space<hbm>> -> memref<128x128xf32, #tpu.memory_space<hbm>>
    %dma_start3A_26 = arith.constant 0 : i32
    %dma_start3A_27 = tpu.memref_slice %arg2[%mul3A_2, %dma_start3A_26] : memref<16384x128xf32, #tpu.memory_space<hbm>> -> memref<128x128xf32, #tpu.memory_space<hbm>>
    tpu.enqueue_dma source(%dma_start3A_27 : memref<128x128xf32, #tpu.memory_space<hbm>>) target(%arg6 : memref<128x128xf32, #tpu.memory_space<vmem>>) target_semaphore(%arg8 : memref<!tpu.dma_semaphore, #tpu.memory_space<semaphore_mem>>)
    %dma_wait3A = arith.constant 0 : i32
    %dma_wait3A_28 = tpu.memref_slice %arg2[%mul3A_2, %dma_wait3A] : memref<16384x128xf32, #tpu.memory_space<hbm>> -> memref<128x128xf32, #tpu.memory_space<hbm>>
    %dma_wait3A_29 = arith.constant 0 : i32
    %dma_wait3A_30 = tpu.memref_slice %arg2[%mul3A_2, %dma_wait3A_29] : memref<16384x128xf32, #tpu.memory_space<hbm>> -> memref<128x128xf32, #tpu.memory_space<hbm>>
    tpu.wait_dma2 semaphore(%arg8 : memref<!tpu.dma_semaphore, #tpu.memory_space<semaphore_mem>>) src(%dma_wait3A_30 : memref<128x128xf32, #tpu.memory_space<hbm>>) dst(%arg6 : memref<128x128xf32, #tpu.memory_space<vmem>>)
    %add3A_31 = arith.constant 128 : i32
    %add3A_32 = arith.addi %mul3A_2, %add3A_31 : i32
    %dma_start3A_33 = arith.constant 0 : i32
    %dma_start3A_34 = tpu.memref_slice %arg2[%add3A_32, %dma_start3A_33] : memref<16384x128xf32, #tpu.memory_space<hbm>> -> memref<128x128xf32, #tpu.memory_space<hbm>>
    %dma_start3A_35 = arith.constant 0 : i32
    %dma_start3A_36 = tpu.memref_slice %arg2[%add3A_32, %dma_start3A_35] : memref<16384x128xf32, #tpu.memory_space<hbm>> -> memref<128x128xf32, #tpu.memory_space<hbm>>
    tpu.enqueue_dma source(%dma_start3A_36 : memref<128x128xf32, #tpu.memory_space<hbm>>) target(%arg7 : memref<128x128xf32, #tpu.memory_space<vmem>>) target_semaphore(%arg9 : memref<!tpu.dma_semaphore, #tpu.memory_space<semaphore_mem>>)
    %run_scoped3A = arith.constant 0 : i32
    "tpu.region"() ({
      %run_scoped3A_141 = tpu.sem_alloc : memref<!tpu.dma_semaphore, #tpu.memory_space<semaphore_mem>>
      %dma_start3A_142 = arith.constant 0 : i32
      %dma_start3A_143 = tpu.memref_slice %arg5[%run_scoped3A, %dma_start3A_142] : memref<4x128xi32, #tpu.memory_space<vmem>> -> memref<1x128xi32, #tpu.memory_space<vmem>>
      %dma_start3A_144 = tpu.memref_squeeze %dma_start3A_143 : memref<1x128xi32, #tpu.memory_space<vmem>> -> memref<128xi32, #tpu.memory_space<vmem>>
      %dma_start3A_145 = arith.constant 0 : i32
      %dma_start3A_146 = arith.constant 0 : i32
      %dma_start3A_147 = tpu.memref_slice %arg10[%dma_start3A_145, %dma_start3A_146] : memref<8192x128xf32, #tpu.memory_space<vmem_shared>> -> memref<8192x128xf32, #tpu.memory_space<vmem_shared>>
      tpu.enqueue_indirect_dma source(%arg6 : memref<128x128xf32, #tpu.memory_space<vmem>>) target(%dma_start3A_147 : memref<8192x128xf32, #tpu.memory_space<vmem_shared>>) offsets(%dma_start3A_144 : memref<128xi32, #tpu.memory_space<vmem>>) semaphore(%run_scoped3A_141 : memref<!tpu.dma_semaphore, #tpu.memory_space<semaphore_mem>>) {add = true}
      %dma_wait3A_148 = arith.constant 0 : i32
      %dma_wait3A_149 = tpu.memref_slice %arg5[%run_scoped3A, %dma_wait3A_148] : memref<4x128xi32, #tpu.memory_space<vmem>> -> memref<1x128xi32, #tpu.memory_space<vmem>>
      %dma_wait3A_150 = tpu.memref_squeeze %dma_wait3A_149 : memref<1x128xi32, #tpu.memory_space<vmem>> -> memref<128xi32, #tpu.memory_space<vmem>>
      %dma_wait3A_151 = arith.constant 0 : i32
      %dma_wait3A_152 = arith.constant 0 : i32
      %dma_wait3A_153 = tpu.memref_slice %arg10[%dma_wait3A_151, %dma_wait3A_152] : memref<8192x128xf32, #tpu.memory_space<vmem_shared>> -> memref<8192x128xf32, #tpu.memory_space<vmem_shared>>
      tpu.wait_indirect_dma semaphore(%run_scoped3A_141 : memref<!tpu.dma_semaphore, #tpu.memory_space<semaphore_mem>>) src(%arg6 : memref<128x128xf32, #tpu.memory_space<vmem>>) dst(%dma_wait3A_153 : memref<8192x128xf32, #tpu.memory_space<vmem_shared>>)
      tpu.yield
    }) : () -> ()
    %dma_wait3A_37 = arith.constant 0 : i32
    %dma_wait3A_38 = tpu.memref_slice %arg2[%add3A_32, %dma_wait3A_37] : memref<16384x128xf32, #tpu.memory_space<hbm>> -> memref<128x128xf32, #tpu.memory_space<hbm>>
    %dma_wait3A_39 = arith.constant 0 : i32
    %dma_wait3A_40 = tpu.memref_slice %arg2[%add3A_32, %dma_wait3A_39] : memref<16384x128xf32, #tpu.memory_space<hbm>> -> memref<128x128xf32, #tpu.memory_space<hbm>>
    tpu.wait_dma2 semaphore(%arg9 : memref<!tpu.dma_semaphore, #tpu.memory_space<semaphore_mem>>) src(%dma_wait3A_40 : memref<128x128xf32, #tpu.memory_space<hbm>>) dst(%arg7 : memref<128x128xf32, #tpu.memory_space<vmem>>)
    %add3A_41 = arith.constant 256 : i32
    %add3A_42 = arith.addi %mul3A_2, %add3A_41 : i32
    %dma_start3A_43 = arith.constant 0 : i32
    %dma_start3A_44 = tpu.memref_slice %arg2[%add3A_42, %dma_start3A_43] : memref<16384x128xf32, #tpu.memory_space<hbm>> -> memref<128x128xf32, #tpu.memory_space<hbm>>
    %dma_start3A_45 = arith.constant 0 : i32
    %dma_start3A_46 = tpu.memref_slice %arg2[%add3A_42, %dma_start3A_45] : memref<16384x128xf32, #tpu.memory_space<hbm>> -> memref<128x128xf32, #tpu.memory_space<hbm>>
    tpu.enqueue_dma source(%dma_start3A_46 : memref<128x128xf32, #tpu.memory_space<hbm>>) target(%arg6 : memref<128x128xf32, #tpu.memory_space<vmem>>) target_semaphore(%arg8 : memref<!tpu.dma_semaphore, #tpu.memory_space<semaphore_mem>>)
    %run_scoped3A_47 = arith.constant 1 : i32
    "tpu.region"() ({
      %run_scoped3A_141 = tpu.sem_alloc : memref<!tpu.dma_semaphore, #tpu.memory_space<semaphore_mem>>
      %dma_start3A_142 = arith.constant 0 : i32
      %dma_start3A_143 = tpu.memref_slice %arg5[%run_scoped3A_47, %dma_start3A_142] : memref<4x128xi32, #tpu.memory_space<vmem>> -> memref<1x128xi32, #tpu.memory_space<vmem>>
      %dma_start3A_144 = tpu.memref_squeeze %dma_start3A_143 : memref<1x128xi32, #tpu.memory_space<vmem>> -> memref<128xi32, #tpu.memory_space<vmem>>
      %dma_start3A_145 = arith.constant 0 : i32
      %dma_start3A_146 = arith.constant 0 : i32
      %dma_start3A_147 = tpu.memref_slice %arg10[%dma_start3A_145, %dma_start3A_146] : memref<8192x128xf32, #tpu.memory_space<vmem_shared>> -> memref<8192x128xf32, #tpu.memory_space<vmem_shared>>
      tpu.enqueue_indirect_dma source(%arg7 : memref<128x128xf32, #tpu.memory_space<vmem>>) target(%dma_start3A_147 : memref<8192x128xf32, #tpu.memory_space<vmem_shared>>) offsets(%dma_start3A_144 : memref<128xi32, #tpu.memory_space<vmem>>) semaphore(%run_scoped3A_141 : memref<!tpu.dma_semaphore, #tpu.memory_space<semaphore_mem>>) {add = true}
      %dma_wait3A_148 = arith.constant 0 : i32
      %dma_wait3A_149 = tpu.memref_slice %arg5[%run_scoped3A_47, %dma_wait3A_148] : memref<4x128xi32, #tpu.memory_space<vmem>> -> memref<1x128xi32, #tpu.memory_space<vmem>>
      %dma_wait3A_150 = tpu.memref_squeeze %dma_wait3A_149 : memref<1x128xi32, #tpu.memory_space<vmem>> -> memref<128xi32, #tpu.memory_space<vmem>>
      %dma_wait3A_151 = arith.constant 0 : i32
      %dma_wait3A_152 = arith.constant 0 : i32
      %dma_wait3A_153 = tpu.memref_slice %arg10[%dma_wait3A_151, %dma_wait3A_152] : memref<8192x128xf32, #tpu.memory_space<vmem_shared>> -> memref<8192x128xf32, #tpu.memory_space<vmem_shared>>
      tpu.wait_indirect_dma semaphore(%run_scoped3A_141 : memref<!tpu.dma_semaphore, #tpu.memory_space<semaphore_mem>>) src(%arg7 : memref<128x128xf32, #tpu.memory_space<vmem>>) dst(%dma_wait3A_153 : memref<8192x128xf32, #tpu.memory_space<vmem_shared>>)
      tpu.yield
    }) : () -> ()
    %dma_wait3A_48 = arith.constant 0 : i32
    %dma_wait3A_49 = tpu.memref_slice %arg2[%add3A_42, %dma_wait3A_48] : memref<16384x128xf32, #tpu.memory_space<hbm>> -> memref<128x128xf32, #tpu.memory_space<hbm>>
    %dma_wait3A_50 = arith.constant 0 : i32
    %dma_wait3A_51 = tpu.memref_slice %arg2[%add3A_42, %dma_wait3A_50] : memref<16384x128xf32, #tpu.memory_space<hbm>> -> memref<128x128xf32, #tpu.memory_space<hbm>>
    tpu.wait_dma2 semaphore(%arg8 : memref<!tpu.dma_semaphore, #tpu.memory_space<semaphore_mem>>) src(%dma_wait3A_51 : memref<128x128xf32, #tpu.memory_space<hbm>>) dst(%arg6 : memref<128x128xf32, #tpu.memory_space<vmem>>)
    %add3A_52 = arith.constant 384 : i32
    %add3A_53 = arith.addi %mul3A_2, %add3A_52 : i32
    %dma_start3A_54 = arith.constant 0 : i32
    %dma_start3A_55 = tpu.memref_slice %arg2[%add3A_53, %dma_start3A_54] : memref<16384x128xf32, #tpu.memory_space<hbm>> -> memref<128x128xf32, #tpu.memory_space<hbm>>
    %dma_start3A_56 = arith.constant 0 : i32
    %dma_start3A_57 = tpu.memref_slice %arg2[%add3A_53, %dma_start3A_56] : memref<16384x128xf32, #tpu.memory_space<hbm>> -> memref<128x128xf32, #tpu.memory_space<hbm>>
    tpu.enqueue_dma source(%dma_start3A_57 : memref<128x128xf32, #tpu.memory_space<hbm>>) target(%arg7 : memref<128x128xf32, #tpu.memory_space<vmem>>) target_semaphore(%arg9 : memref<!tpu.dma_semaphore, #tpu.memory_space<semaphore_mem>>)
    %run_scoped3A_58 = arith.constant 2 : i32
    "tpu.region"() ({
      %run_scoped3A_141 = tpu.sem_alloc : memref<!tpu.dma_semaphore, #tpu.memory_space<semaphore_mem>>
      %dma_start3A_142 = arith.constant 0 : i32
      %dma_start3A_143 = tpu.memref_slice %arg5[%run_scoped3A_58, %dma_start3A_142] : memref<4x128xi32, #tpu.memory_space<vmem>> -> memref<1x128xi32, #tpu.memory_space<vmem>>
      %dma_start3A_144 = tpu.memref_squeeze %dma_start3A_143 : memref<1x128xi32, #tpu.memory_space<vmem>> -> memref<128xi32, #tpu.memory_space<vmem>>
      %dma_start3A_145 = arith.constant 0 : i32
      %dma_start3A_146 = arith.constant 0 : i32
      %dma_start3A_147 = tpu.memref_slice %arg10[%dma_start3A_145, %dma_start3A_146] : memref<8192x128xf32, #tpu.memory_space<vmem_shared>> -> memref<8192x128xf32, #tpu.memory_space<vmem_shared>>
      tpu.enqueue_indirect_dma source(%arg6 : memref<128x128xf32, #tpu.memory_space<vmem>>) target(%dma_start3A_147 : memref<8192x128xf32, #tpu.memory_space<vmem_shared>>) offsets(%dma_start3A_144 : memref<128xi32, #tpu.memory_space<vmem>>) semaphore(%run_scoped3A_141 : memref<!tpu.dma_semaphore, #tpu.memory_space<semaphore_mem>>) {add = true}
      %dma_wait3A_148 = arith.constant 0 : i32
      %dma_wait3A_149 = tpu.memref_slice %arg5[%run_scoped3A_58, %dma_wait3A_148] : memref<4x128xi32, #tpu.memory_space<vmem>> -> memref<1x128xi32, #tpu.memory_space<vmem>>
      %dma_wait3A_150 = tpu.memref_squeeze %dma_wait3A_149 : memref<1x128xi32, #tpu.memory_space<vmem>> -> memref<128xi32, #tpu.memory_space<vmem>>
      %dma_wait3A_151 = arith.constant 0 : i32
      %dma_wait3A_152 = arith.constant 0 : i32
      %dma_wait3A_153 = tpu.memref_slice %arg10[%dma_wait3A_151, %dma_wait3A_152] : memref<8192x128xf32, #tpu.memory_space<vmem_shared>> -> memref<8192x128xf32, #tpu.memory_space<vmem_shared>>
      tpu.wait_indirect_dma semaphore(%run_scoped3A_141 : memref<!tpu.dma_semaphore, #tpu.memory_space<semaphore_mem>>) src(%arg6 : memref<128x128xf32, #tpu.memory_space<vmem>>) dst(%dma_wait3A_153 : memref<8192x128xf32, #tpu.memory_space<vmem_shared>>)
      tpu.yield
    }) : () -> ()
    %dma_wait3A_59 = arith.constant 0 : i32
    %dma_wait3A_60 = tpu.memref_slice %arg2[%add3A_53, %dma_wait3A_59] : memref<16384x128xf32, #tpu.memory_space<hbm>> -> memref<128x128xf32, #tpu.memory_space<hbm>>
    %dma_wait3A_61 = arith.constant 0 : i32
    %dma_wait3A_62 = tpu.memref_slice %arg2[%add3A_53, %dma_wait3A_61] : memref<16384x128xf32, #tpu.memory_space<hbm>> -> memref<128x128xf32, #tpu.memory_space<hbm>>
    tpu.wait_dma2 semaphore(%arg9 : memref<!tpu.dma_semaphore, #tpu.memory_space<semaphore_mem>>) src(%dma_wait3A_62 : memref<128x128xf32, #tpu.memory_space<hbm>>) dst(%arg7 : memref<128x128xf32, #tpu.memory_space<vmem>>)
    %run_scoped3A_63 = arith.constant 3 : i32
    "tpu.region"() ({
      %run_scoped3A_141 = tpu.sem_alloc : memref<!tpu.dma_semaphore, #tpu.memory_space<semaphore_mem>>
      %dma_start3A_142 = arith.constant 0 : i32
      %dma_start3A_143 = tpu.memref_slice %arg5[%run_scoped3A_63, %dma_start3A_142] : memref<4x128xi32, #tpu.memory_space<vmem>> -> memref<1x128xi32, #tpu.memory_space<vmem>>
      %dma_start3A_144 = tpu.memref_squeeze %dma_start3A_143 : memref<1x128xi32, #tpu.memory_space<vmem>> -> memref<128xi32, #tpu.memory_space<vmem>>
      %dma_start3A_145 = arith.constant 0 : i32
      %dma_start3A_146 = arith.constant 0 : i32
      %dma_start3A_147 = tpu.memref_slice %arg10[%dma_start3A_145, %dma_start3A_146] : memref<8192x128xf32, #tpu.memory_space<vmem_shared>> -> memref<8192x128xf32, #tpu.memory_space<vmem_shared>>
      tpu.enqueue_indirect_dma source(%arg7 : memref<128x128xf32, #tpu.memory_space<vmem>>) target(%dma_start3A_147 : memref<8192x128xf32, #tpu.memory_space<vmem_shared>>) offsets(%dma_start3A_144 : memref<128xi32, #tpu.memory_space<vmem>>) semaphore(%run_scoped3A_141 : memref<!tpu.dma_semaphore, #tpu.memory_space<semaphore_mem>>) {add = true}
      %dma_wait3A_148 = arith.constant 0 : i32
      %dma_wait3A_149 = tpu.memref_slice %arg5[%run_scoped3A_63, %dma_wait3A_148] : memref<4x128xi32, #tpu.memory_space<vmem>> -> memref<1x128xi32, #tpu.memory_space<vmem>>
      %dma_wait3A_150 = tpu.memref_squeeze %dma_wait3A_149 : memref<1x128xi32, #tpu.memory_space<vmem>> -> memref<128xi32, #tpu.memory_space<vmem>>
      %dma_wait3A_151 = arith.constant 0 : i32
      %dma_wait3A_152 = arith.constant 0 : i32
      %dma_wait3A_153 = tpu.memref_slice %arg10[%dma_wait3A_151, %dma_wait3A_152] : memref<8192x128xf32, #tpu.memory_space<vmem_shared>> -> memref<8192x128xf32, #tpu.memory_space<vmem_shared>>
      tpu.wait_indirect_dma semaphore(%run_scoped3A_141 : memref<!tpu.dma_semaphore, #tpu.memory_space<semaphore_mem>>) src(%arg7 : memref<128x128xf32, #tpu.memory_space<vmem>>) dst(%dma_wait3A_153 : memref<8192x128xf32, #tpu.memory_space<vmem_shared>>)
      tpu.yield
    }) : () -> ()
    %barrier3A_64 = arith.constant 0 : index
    tpu.barrier barrier_id(%barrier3A_64)
    %mul3A_65 = arith.constant 512 : i32
    %mul3A_66 = arith.muli %arg1, %mul3A_65 : i32
    %add3A_67 = arith.constant 0 : i32
    %add3A_68 = arith.addi %mul3A_66, %add3A_67 : i32
    "tpu.region"() ({
      %run_scoped3A_141 = tpu.sem_alloc : memref<!tpu.dma_semaphore, #tpu.memory_space<semaphore_mem>>
      %dma_start3A_142 = arith.constant 0 : i32
      %dma_start3A_143 = tpu.memref_slice %arg10[%add3A_68, %dma_start3A_142] : memref<8192x128xf32, #tpu.memory_space<vmem_shared>> -> memref<128x128xf32, #tpu.memory_space<vmem_shared>>
      %dma_start3A_144 = arith.constant 0 : i32
      %dma_start3A_145 = tpu.memref_slice %arg10[%add3A_68, %dma_start3A_144] : memref<8192x128xf32, #tpu.memory_space<vmem_shared>> -> memref<128x128xf32, #tpu.memory_space<vmem_shared>>
      tpu.enqueue_dma source(%dma_start3A_145 : memref<128x128xf32, #tpu.memory_space<vmem_shared>>) target(%arg6 : memref<128x128xf32, #tpu.memory_space<vmem>>) target_semaphore(%run_scoped3A_141 : memref<!tpu.dma_semaphore, #tpu.memory_space<semaphore_mem>>)
      %dma_wait3A_146 = arith.constant 0 : i32
      %dma_wait3A_147 = tpu.memref_slice %arg10[%add3A_68, %dma_wait3A_146] : memref<8192x128xf32, #tpu.memory_space<vmem_shared>> -> memref<128x128xf32, #tpu.memory_space<vmem_shared>>
      %dma_wait3A_148 = arith.constant 0 : i32
      %dma_wait3A_149 = tpu.memref_slice %arg10[%add3A_68, %dma_wait3A_148] : memref<8192x128xf32, #tpu.memory_space<vmem_shared>> -> memref<128x128xf32, #tpu.memory_space<vmem_shared>>
      tpu.wait_dma2 semaphore(%run_scoped3A_141 : memref<!tpu.dma_semaphore, #tpu.memory_space<semaphore_mem>>) src(%dma_wait3A_149 : memref<128x128xf32, #tpu.memory_space<vmem_shared>>) dst(%arg6 : memref<128x128xf32, #tpu.memory_space<vmem>>)
      tpu.yield
    }) : () -> ()
    %mul3A_69 = arith.constant 8192 : i32
    %mul3A_70 = arith.muli %arg0, %mul3A_69 : i32
    %mul3A_71 = arith.constant 512 : i32
    %mul3A_72 = arith.muli %arg1, %mul3A_71 : i32
    %add3A_73 = arith.addi %mul3A_70, %mul3A_72 : i32
    %add3A_74 = arith.constant 0 : i32
    %add3A_75 = arith.addi %add3A_73, %add3A_74 : i32
    %dma_start3A_76 = arith.constant 0 : i32
    %dma_start3A_77 = tpu.memref_slice %arg4[%add3A_75, %dma_start3A_76] : memref<16384x128xf32, #tpu.memory_space<hbm>> -> memref<128x128xf32, #tpu.memory_space<hbm>>
    %dma_start3A_78 = arith.constant 0 : i32
    %dma_start3A_79 = tpu.memref_slice %arg4[%add3A_75, %dma_start3A_78] : memref<16384x128xf32, #tpu.memory_space<hbm>> -> memref<128x128xf32, #tpu.memory_space<hbm>>
    tpu.enqueue_dma source(%arg6 : memref<128x128xf32, #tpu.memory_space<vmem>>) target(%dma_start3A_79 : memref<128x128xf32, #tpu.memory_space<hbm>>) target_semaphore(%arg8 : memref<!tpu.dma_semaphore, #tpu.memory_space<semaphore_mem>>)
    %mul3A_80 = arith.constant 512 : i32
    %mul3A_81 = arith.muli %arg1, %mul3A_80 : i32
    %add3A_82 = arith.constant 128 : i32
    %add3A_83 = arith.addi %mul3A_81, %add3A_82 : i32
    "tpu.region"() ({
      %run_scoped3A_141 = tpu.sem_alloc : memref<!tpu.dma_semaphore, #tpu.memory_space<semaphore_mem>>
      %dma_start3A_142 = arith.constant 0 : i32
      %dma_start3A_143 = tpu.memref_slice %arg10[%add3A_83, %dma_start3A_142] : memref<8192x128xf32, #tpu.memory_space<vmem_shared>> -> memref<128x128xf32, #tpu.memory_space<vmem_shared>>
      %dma_start3A_144 = arith.constant 0 : i32
      %dma_start3A_145 = tpu.memref_slice %arg10[%add3A_83, %dma_start3A_144] : memref<8192x128xf32, #tpu.memory_space<vmem_shared>> -> memref<128x128xf32, #tpu.memory_space<vmem_shared>>
      tpu.enqueue_dma source(%dma_start3A_145 : memref<128x128xf32, #tpu.memory_space<vmem_shared>>) target(%arg7 : memref<128x128xf32, #tpu.memory_space<vmem>>) target_semaphore(%run_scoped3A_141 : memref<!tpu.dma_semaphore, #tpu.memory_space<semaphore_mem>>)
      %dma_wait3A_146 = arith.constant 0 : i32
      %dma_wait3A_147 = tpu.memref_slice %arg10[%add3A_83, %dma_wait3A_146] : memref<8192x128xf32, #tpu.memory_space<vmem_shared>> -> memref<128x128xf32, #tpu.memory_space<vmem_shared>>
      %dma_wait3A_148 = arith.constant 0 : i32
      %dma_wait3A_149 = tpu.memref_slice %arg10[%add3A_83, %dma_wait3A_148] : memref<8192x128xf32, #tpu.memory_space<vmem_shared>> -> memref<128x128xf32, #tpu.memory_space<vmem_shared>>
      tpu.wait_dma2 semaphore(%run_scoped3A_141 : memref<!tpu.dma_semaphore, #tpu.memory_space<semaphore_mem>>) src(%dma_wait3A_149 : memref<128x128xf32, #tpu.memory_space<vmem_shared>>) dst(%arg7 : memref<128x128xf32, #tpu.memory_space<vmem>>)
      tpu.yield
    }) : () -> ()
    %mul3A_84 = arith.constant 8192 : i32
    %mul3A_85 = arith.muli %arg0, %mul3A_84 : i32
    %mul3A_86 = arith.constant 512 : i32
    %mul3A_87 = arith.muli %arg1, %mul3A_86 : i32
    %add3A_88 = arith.addi %mul3A_85, %mul3A_87 : i32
    %add3A_89 = arith.constant 128 : i32
    %add3A_90 = arith.addi %add3A_88, %add3A_89 : i32
    %dma_start3A_91 = arith.constant 0 : i32
    %dma_start3A_92 = tpu.memref_slice %arg4[%add3A_90, %dma_start3A_91] : memref<16384x128xf32, #tpu.memory_space<hbm>> -> memref<128x128xf32, #tpu.memory_space<hbm>>
    %dma_start3A_93 = arith.constant 0 : i32
    %dma_start3A_94 = tpu.memref_slice %arg4[%add3A_90, %dma_start3A_93] : memref<16384x128xf32, #tpu.memory_space<hbm>> -> memref<128x128xf32, #tpu.memory_space<hbm>>
    tpu.enqueue_dma source(%arg7 : memref<128x128xf32, #tpu.memory_space<vmem>>) target(%dma_start3A_94 : memref<128x128xf32, #tpu.memory_space<hbm>>) target_semaphore(%arg9 : memref<!tpu.dma_semaphore, #tpu.memory_space<semaphore_mem>>)
    %dma_wait3A_95 = arith.constant 0 : i32
    %dma_wait3A_96 = tpu.memref_slice %arg4[%add3A_75, %dma_wait3A_95] : memref<16384x128xf32, #tpu.memory_space<hbm>> -> memref<128x128xf32, #tpu.memory_space<hbm>>
    %dma_wait3A_97 = arith.constant 0 : i32
    %dma_wait3A_98 = tpu.memref_slice %arg4[%add3A_75, %dma_wait3A_97] : memref<16384x128xf32, #tpu.memory_space<hbm>> -> memref<128x128xf32, #tpu.memory_space<hbm>>
    tpu.wait_dma2 semaphore(%arg8 : memref<!tpu.dma_semaphore, #tpu.memory_space<semaphore_mem>>) src(%arg6 : memref<128x128xf32, #tpu.memory_space<vmem>>) dst(%dma_wait3A_98 : memref<128x128xf32, #tpu.memory_space<hbm>>)
    %mul3A_99 = arith.constant 512 : i32
    %mul3A_100 = arith.muli %arg1, %mul3A_99 : i32
    %add3A_101 = arith.constant 256 : i32
    %add3A_102 = arith.addi %mul3A_100, %add3A_101 : i32
    "tpu.region"() ({
      %run_scoped3A_141 = tpu.sem_alloc : memref<!tpu.dma_semaphore, #tpu.memory_space<semaphore_mem>>
      %dma_start3A_142 = arith.constant 0 : i32
      %dma_start3A_143 = tpu.memref_slice %arg10[%add3A_102, %dma_start3A_142] : memref<8192x128xf32, #tpu.memory_space<vmem_shared>> -> memref<128x128xf32, #tpu.memory_space<vmem_shared>>
      %dma_start3A_144 = arith.constant 0 : i32
      %dma_start3A_145 = tpu.memref_slice %arg10[%add3A_102, %dma_start3A_144] : memref<8192x128xf32, #tpu.memory_space<vmem_shared>> -> memref<128x128xf32, #tpu.memory_space<vmem_shared>>
      tpu.enqueue_dma source(%dma_start3A_145 : memref<128x128xf32, #tpu.memory_space<vmem_shared>>) target(%arg6 : memref<128x128xf32, #tpu.memory_space<vmem>>) target_semaphore(%run_scoped3A_141 : memref<!tpu.dma_semaphore, #tpu.memory_space<semaphore_mem>>)
      %dma_wait3A_146 = arith.constant 0 : i32
      %dma_wait3A_147 = tpu.memref_slice %arg10[%add3A_102, %dma_wait3A_146] : memref<8192x128xf32, #tpu.memory_space<vmem_shared>> -> memref<128x128xf32, #tpu.memory_space<vmem_shared>>
      %dma_wait3A_148 = arith.constant 0 : i32
      %dma_wait3A_149 = tpu.memref_slice %arg10[%add3A_102, %dma_wait3A_148] : memref<8192x128xf32, #tpu.memory_space<vmem_shared>> -> memref<128x128xf32, #tpu.memory_space<vmem_shared>>
      tpu.wait_dma2 semaphore(%run_scoped3A_141 : memref<!tpu.dma_semaphore, #tpu.memory_space<semaphore_mem>>) src(%dma_wait3A_149 : memref<128x128xf32, #tpu.memory_space<vmem_shared>>) dst(%arg6 : memref<128x128xf32, #tpu.memory_space<vmem>>)
      tpu.yield
    }) : () -> ()
    %mul3A_103 = arith.constant 8192 : i32
    %mul3A_104 = arith.muli %arg0, %mul3A_103 : i32
    %mul3A_105 = arith.constant 512 : i32
    %mul3A_106 = arith.muli %arg1, %mul3A_105 : i32
    %add3A_107 = arith.addi %mul3A_104, %mul3A_106 : i32
    %add3A_108 = arith.constant 256 : i32
    %add3A_109 = arith.addi %add3A_107, %add3A_108 : i32
    %dma_start3A_110 = arith.constant 0 : i32
    %dma_start3A_111 = tpu.memref_slice %arg4[%add3A_109, %dma_start3A_110] : memref<16384x128xf32, #tpu.memory_space<hbm>> -> memref<128x128xf32, #tpu.memory_space<hbm>>
    %dma_start3A_112 = arith.constant 0 : i32
    %dma_start3A_113 = tpu.memref_slice %arg4[%add3A_109, %dma_start3A_112] : memref<16384x128xf32, #tpu.memory_space<hbm>> -> memref<128x128xf32, #tpu.memory_space<hbm>>
    tpu.enqueue_dma source(%arg6 : memref<128x128xf32, #tpu.memory_space<vmem>>) target(%dma_start3A_113 : memref<128x128xf32, #tpu.memory_space<hbm>>) target_semaphore(%arg8 : memref<!tpu.dma_semaphore, #tpu.memory_space<semaphore_mem>>)
    %dma_wait3A_114 = arith.constant 0 : i32
    %dma_wait3A_115 = tpu.memref_slice %arg4[%add3A_90, %dma_wait3A_114] : memref<16384x128xf32, #tpu.memory_space<hbm>> -> memref<128x128xf32, #tpu.memory_space<hbm>>
    %dma_wait3A_116 = arith.constant 0 : i32
    %dma_wait3A_117 = tpu.memref_slice %arg4[%add3A_90, %dma_wait3A_116] : memref<16384x128xf32, #tpu.memory_space<hbm>> -> memref<128x128xf32, #tpu.memory_space<hbm>>
    tpu.wait_dma2 semaphore(%arg9 : memref<!tpu.dma_semaphore, #tpu.memory_space<semaphore_mem>>) src(%arg7 : memref<128x128xf32, #tpu.memory_space<vmem>>) dst(%dma_wait3A_117 : memref<128x128xf32, #tpu.memory_space<hbm>>)
    %mul3A_118 = arith.constant 512 : i32
    %mul3A_119 = arith.muli %arg1, %mul3A_118 : i32
    %add3A_120 = arith.constant 384 : i32
    %add3A_121 = arith.addi %mul3A_119, %add3A_120 : i32
    "tpu.region"() ({
      %run_scoped3A_141 = tpu.sem_alloc : memref<!tpu.dma_semaphore, #tpu.memory_space<semaphore_mem>>
      %dma_start3A_142 = arith.constant 0 : i32
      %dma_start3A_143 = tpu.memref_slice %arg10[%add3A_121, %dma_start3A_142] : memref<8192x128xf32, #tpu.memory_space<vmem_shared>> -> memref<128x128xf32, #tpu.memory_space<vmem_shared>>
      %dma_start3A_144 = arith.constant 0 : i32
      %dma_start3A_145 = tpu.memref_slice %arg10[%add3A_121, %dma_start3A_144] : memref<8192x128xf32, #tpu.memory_space<vmem_shared>> -> memref<128x128xf32, #tpu.memory_space<vmem_shared>>
      tpu.enqueue_dma source(%dma_start3A_145 : memref<128x128xf32, #tpu.memory_space<vmem_shared>>) target(%arg7 : memref<128x128xf32, #tpu.memory_space<vmem>>) target_semaphore(%run_scoped3A_141 : memref<!tpu.dma_semaphore, #tpu.memory_space<semaphore_mem>>)
      %dma_wait3A_146 = arith.constant 0 : i32
      %dma_wait3A_147 = tpu.memref_slice %arg10[%add3A_121, %dma_wait3A_146] : memref<8192x128xf32, #tpu.memory_space<vmem_shared>> -> memref<128x128xf32, #tpu.memory_space<vmem_shared>>
      %dma_wait3A_148 = arith.constant 0 : i32
      %dma_wait3A_149 = tpu.memref_slice %arg10[%add3A_121, %dma_wait3A_148] : memref<8192x128xf32, #tpu.memory_space<vmem_shared>> -> memref<128x128xf32, #tpu.memory_space<vmem_shared>>
      tpu.wait_dma2 semaphore(%run_scoped3A_141 : memref<!tpu.dma_semaphore, #tpu.memory_space<semaphore_mem>>) src(%dma_wait3A_149 : memref<128x128xf32, #tpu.memory_space<vmem_shared>>) dst(%arg7 : memref<128x128xf32, #tpu.memory_space<vmem>>)
      tpu.yield
    }) : () -> ()
    %mul3A_122 = arith.constant 8192 : i32
    %mul3A_123 = arith.muli %arg0, %mul3A_122 : i32
    %mul3A_124 = arith.constant 512 : i32
    %mul3A_125 = arith.muli %arg1, %mul3A_124 : i32
    %add3A_126 = arith.addi %mul3A_123, %mul3A_125 : i32
    %add3A_127 = arith.constant 384 : i32
    %add3A_128 = arith.addi %add3A_126, %add3A_127 : i32
    %dma_start3A_129 = arith.constant 0 : i32
    %dma_start3A_130 = tpu.memref_slice %arg4[%add3A_128, %dma_start3A_129] : memref<16384x128xf32, #tpu.memory_space<hbm>> -> memref<128x128xf32, #tpu.memory_space<hbm>>
    %dma_start3A_131 = arith.constant 0 : i32
    %dma_start3A_132 = tpu.memref_slice %arg4[%add3A_128, %dma_start3A_131] : memref<16384x128xf32, #tpu.memory_space<hbm>> -> memref<128x128xf32, #tpu.memory_space<hbm>>
    tpu.enqueue_dma source(%arg7 : memref<128x128xf32, #tpu.memory_space<vmem>>) target(%dma_start3A_132 : memref<128x128xf32, #tpu.memory_space<hbm>>) target_semaphore(%arg9 : memref<!tpu.dma_semaphore, #tpu.memory_space<semaphore_mem>>)
    %dma_wait3A_133 = arith.constant 0 : i32
    %dma_wait3A_134 = tpu.memref_slice %arg4[%add3A_109, %dma_wait3A_133] : memref<16384x128xf32, #tpu.memory_space<hbm>> -> memref<128x128xf32, #tpu.memory_space<hbm>>
    %dma_wait3A_135 = arith.constant 0 : i32
    %dma_wait3A_136 = tpu.memref_slice %arg4[%add3A_109, %dma_wait3A_135] : memref<16384x128xf32, #tpu.memory_space<hbm>> -> memref<128x128xf32, #tpu.memory_space<hbm>>
    tpu.wait_dma2 semaphore(%arg8 : memref<!tpu.dma_semaphore, #tpu.memory_space<semaphore_mem>>) src(%arg6 : memref<128x128xf32, #tpu.memory_space<vmem>>) dst(%dma_wait3A_136 : memref<128x128xf32, #tpu.memory_space<hbm>>)
    %dma_wait3A_137 = arith.constant 0 : i32
    %dma_wait3A_138 = tpu.memref_slice %arg4[%add3A_128, %dma_wait3A_137] : memref<16384x128xf32, #tpu.memory_space<hbm>> -> memref<128x128xf32, #tpu.memory_space<hbm>>
    %dma_wait3A_139 = arith.constant 0 : i32
    %dma_wait3A_140 = tpu.memref_slice %arg4[%add3A_128, %dma_wait3A_139] : memref<16384x128xf32, #tpu.memory_space<hbm>> -> memref<128x128xf32, #tpu.memory_space<hbm>>
    tpu.wait_dma2 semaphore(%arg9 : memref<!tpu.dma_semaphore, #tpu.memory_space<semaphore_mem>>) src(%arg7 : memref<128x128xf32, #tpu.memory_space<vmem>>) dst(%dma_wait3A_140 : memref<128x128xf32, #tpu.memory_space<hbm>>)
    return
  }
}

module attributes {stable_mosaic.version = 14 : i64} {
  func.func @_combine_body(%arg0: i32, %arg1: memref<1024x32xf32, #tpu.memory_space<vmem>>, %arg2: memref<1024x128xf32, #tpu.memory_space<vmem>>, %arg3: memref<1024x128xf32, #tpu.memory_space<vmem>>, %arg4: memref<1024x32xf32, #tpu.memory_space<vmem>>) attributes {dimension_semantics = [#tpu.dimension_semantics<arbitrary>], iteration_bounds = array<i64: 8>, scalar_prefetch = 0 : i64, scratch_operands = 0 : i64, tpu.core_type = #tpu.core_type<tc>, window_params = [{transform_indices = @transform_0, window_bounds = array<i64: 1024, 32>}, {transform_indices = @transform_1, window_bounds = array<i64: 1024, 128>}, {transform_indices = @transform_2, window_bounds = array<i64: 1024, 128>}, {transform_indices = @transform_3, window_bounds = array<i64: 1024, 32>}]} {
    %get3A = arith.constant 0 : index
    %get3A_0 = arith.constant 0 : index
    %get3A_1 = vector.load %arg1[%get3A, %get3A_0] : memref<1024x32xf32, #tpu.memory_space<vmem>>, vector<1024x32xf32>
    %get3A_2 = arith.constant 0 : index
    %get3A_3 = arith.constant 0 : index
    %get3A_4 = vector.load %arg2[%get3A_2, %get3A_3] : memref<1024x128xf32, #tpu.memory_space<vmem>>, vector<1024x128xf32>
    %get3A_5 = arith.constant 0 : index
    %get3A_6 = arith.constant 0 : index
    %get3A_7 = vector.load %arg3[%get3A_5, %get3A_6] : memref<1024x128xf32, #tpu.memory_space<vmem>>, vector<1024x128xf32>
    %add3A = arith.addf %get3A_4, %get3A_7 : vector<1024x128xf32>
    %slice3A = vector.extract_strided_slice %add3A {offsets = [0, 0], sizes = [1024, 32], strides = [1, 1]} : vector<1024x128xf32> to vector<1024x32xf32>
    %slice3A_8 = vector.extract_strided_slice %add3A {offsets = [0, 32], sizes = [1024, 1], strides = [1, 1]} : vector<1024x128xf32> to vector<1024x1xf32>
    %mul3A = arith.constant 9.900000e-01 : f32
    %mul3A_9 = vector.broadcast %mul3A : f32 to vector<1024x32xf32>
    %mul3A_10 = arith.mulf %mul3A_9, %get3A_1 : vector<1024x32xf32>
    %mul3A_11 = arith.constant 0.00999999977 : f32
    %mul3A_12 = vector.broadcast %mul3A_11 : f32 to vector<1024x32xf32>
    %mul3A_13 = arith.mulf %mul3A_12, %slice3A : vector<1024x32xf32>
    %max3A = arith.constant 1.000000e+00 : f32
    %max3A_14 = vector.broadcast %max3A : f32 to vector<1024x1xf32>
    %max3A_15 = arith.maximumf %slice3A_8, %max3A_14 : vector<1024x1xf32>
    %div3A = vector.broadcast %max3A_15 : vector<1024x1xf32> to vector<1024x32xf32>
    %div3A_16 = arith.divf %mul3A_13, %div3A : vector<1024x32xf32>
    %add3A_17 = arith.addf %mul3A_10, %div3A_16 : vector<1024x32xf32>
    %gt3A = arith.constant 0.000000e+00 : f32
    %gt3A_18 = vector.broadcast %gt3A : f32 to vector<1024x1xf32>
    %gt3A_19 = arith.cmpf ogt, %slice3A_8, %gt3A_18 : vector<1024x1xf32>
    %broadcast_in_dim3A = vector.shape_cast %gt3A_19 : vector<1024x1xi1> to vector<1024x1xi1>
    %broadcast_in_dim3A_20 = vector.broadcast %broadcast_in_dim3A : vector<1024x1xi1> to vector<1024x32xi1>
    %select_n3A = arith.select %broadcast_in_dim3A_20, %add3A_17, %get3A_1 : vector<1024x32xi1>, vector<1024x32xf32>
    %mul3A_21 = arith.mulf %select_n3A, %select_n3A : vector<1024x32xf32>
    %reduce_sum3A = arith.constant dense<0.000000e+00> : vector<1024xf32>
    %reduce_sum3A_22 = vector.multi_reduction <add>, %mul3A_21, %reduce_sum3A [1] : vector<1024x32xf32> to vector<1024xf32>
    %broadcast_in_dim3A_23 = vector.shape_cast %reduce_sum3A_22 : vector<1024xf32> to vector<1024x1xf32>
    %sqrt3A = math.sqrt %broadcast_in_dim3A_23 : vector<1024x1xf32>
    %max3A_24 = arith.constant 9.99999996E-13 : f32
    %max3A_25 = vector.broadcast %max3A_24 : f32 to vector<1024x1xf32>
    %max3A_26 = arith.maximumf %sqrt3A, %max3A_25 : vector<1024x1xf32>
    %div3A_27 = vector.broadcast %max3A_26 : vector<1024x1xf32> to vector<1024x32xf32>
    %div3A_28 = arith.divf %select_n3A, %div3A_27 : vector<1024x32xf32>
    %swap3A = arith.constant 0 : index
    %swap3A_29 = arith.constant 0 : index
    %swap3A_30 = vector.load %arg4[%swap3A, %swap3A_29] : memref<1024x32xf32, #tpu.memory_space<vmem>>, vector<1024x32xf32>
    tpu.vector_store %arg4[%swap3A, %swap3A_29], %div3A_28 {strides = array<i32>} : memref<1024x32xf32, #tpu.memory_space<vmem>>, vector<1024x32xf32>,
    return
  }
  func.func @transform_0(%arg0: i32) -> (i32, i32) {
    %c0_i32 = arith.constant 0 : i32
    %c0_i32_0 = arith.constant 0 : i32
    return %arg0, %c0_i32 : i32, i32
  }
  func.func @transform_1(%arg0: i32) -> (i32, i32) {
    %c0_i32 = arith.constant 0 : i32
    %c0_i32_0 = arith.constant 0 : i32
    return %arg0, %c0_i32 : i32, i32
  }
  func.func @transform_2(%arg0: i32) -> (i32, i32) {
    %add3A = arith.constant 8 : i32
    %add3A_0 = arith.addi %arg0, %add3A : i32
    %c0_i32 = arith.constant 0 : i32
    %c0_i32_1 = arith.constant 0 : i32
    return %add3A_0, %c0_i32 : i32, i32
  }
  func.func @transform_3(%arg0: i32) -> (i32, i32) {
    %c0_i32 = arith.constant 0 : i32
    %c0_i32_0 = arith.constant 0 : i32
    return %arg0, %c0_i32 : i32, i32
  }
}

module attributes {stable_mosaic.version = 14 : i64} {
  func.func @_assign_body(%arg0: i32, %arg1: memref<512x32xf32, #tpu.memory_space<vmem>>, %arg2: memref<8192x32xf32, #tpu.memory_space<vmem>>, %arg3: memref<1x4x128xi32, #tpu.memory_space<vmem>>, %arg4: memref<512x128xf32, #tpu.memory_space<vmem>>, %arg5: memref<8192x32xf32, #tpu.memory_space<vmem>>) attributes {dimension_semantics = [#tpu.dimension_semantics<arbitrary>], iteration_bounds = array<i64: 32>, scalar_prefetch = 0 : i64, scratch_operands = 1 : i64, tpu.core_type = #tpu.core_type<tc>, window_params = [{transform_indices = @transform_0, window_bounds = array<i64: 512, 32>}, {pipeline_mode = #tpu.pipeline_mode<synchronous>, transform_indices = @transform_1, window_bounds = array<i64: 8192, 32>}, {transform_indices = @transform_2, window_bounds = array<i64: 1, 4, 128>}, {transform_indices = @transform_3, window_bounds = array<i64: 512, 128>}]} {
    %eq3A = arith.constant 0 : i32
    %eq3A_0 = arith.cmpi eq, %arg0, %eq3A : i32
    %convert_element_type3A = arith.extui %eq3A_0 : i1 to i32
    %cond3A = arith.constant 0 : i32
    %cond3A_1 = arith.cmpi ne, %convert_element_type3A, %cond3A : i32
    scf.if %cond3A_1 {
      %get3A_673 = arith.constant 0 : index
      %get3A_674 = arith.constant 0 : index
      %get3A_675 = vector.load %arg2[%get3A_673, %get3A_674] : memref<8192x32xf32, #tpu.memory_space<vmem>>, vector<8192x32xf32>
      %mul3A_676 = arith.mulf %get3A_675, %get3A_675 : vector<8192x32xf32>
      %reduce_sum3A_677 = arith.constant dense<0.000000e+00> : vector<8192xf32>
      %reduce_sum3A_678 = vector.multi_reduction <add>, %mul3A_676, %reduce_sum3A_677 [1] : vector<8192x32xf32> to vector<8192xf32>
      %broadcast_in_dim3A_679 = vector.shape_cast %reduce_sum3A_678 : vector<8192xf32> to vector<8192x1xf32>
      %sqrt3A_680 = math.sqrt %broadcast_in_dim3A_679 : vector<8192x1xf32>
      %max3A_681 = arith.constant 9.99999996E-13 : f32
      %max3A_682 = vector.broadcast %max3A_681 : f32 to vector<8192x1xf32>
      %max3A_683 = arith.maximumf %sqrt3A_680, %max3A_682 : vector<8192x1xf32>
      %div3A_684 = vector.broadcast %max3A_683 : vector<8192x1xf32> to vector<8192x32xf32>
      %div3A_685 = arith.divf %get3A_675, %div3A_684 : vector<8192x32xf32>
      %swap3A_686 = arith.constant 0 : index
      %swap3A_687 = arith.constant 0 : index
      %swap3A_688 = vector.load %arg5[%swap3A_686, %swap3A_687] : memref<8192x32xf32, #tpu.memory_space<vmem>>, vector<8192x32xf32>
      tpu.vector_store %arg5[%swap3A_686, %swap3A_687], %div3A_685 {strides = array<i32>} : memref<8192x32xf32, #tpu.memory_space<vmem>>, vector<8192x32xf32>,
    } else {
    }
    %get3A = arith.constant 0 : index
    %get3A_2 = arith.constant 0 : index
    %get3A_3 = vector.load %arg1[%get3A, %get3A_2] : memref<512x32xf32, #tpu.memory_space<vmem>>, vector<512x32xf32>
    %broadcast_in_dim3A = arith.constant 1.000000e+00 : f32
    %broadcast_in_dim3A_4 = vector.broadcast %broadcast_in_dim3A : f32 to vector<512x1xf32>
    %broadcast_in_dim3A_5 = arith.constant 0.000000e+00 : f32
    %broadcast_in_dim3A_6 = vector.broadcast %broadcast_in_dim3A_5 : f32 to vector<512x95xf32>
    %concatenate3A = tpu.concatenate %get3A_3, %broadcast_in_dim3A_4, %broadcast_in_dim3A_6 in 1 : vector<512x32xf32>, vector<512x1xf32>, vector<512x95xf32> -> vector<512x128xf32>
    %swap3A = arith.constant 0 : index
    %swap3A_7 = arith.constant 0 : index
    %swap3A_8 = vector.load %arg4[%swap3A, %swap3A_7] : memref<512x128xf32, #tpu.memory_space<vmem>>, vector<512x128xf32>
    tpu.vector_store %arg4[%swap3A, %swap3A_7], %concatenate3A {strides = array<i32>} : memref<512x128xf32, #tpu.memory_space<vmem>>, vector<512x128xf32>,
    %mul3A = arith.mulf %get3A_3, %get3A_3 : vector<512x32xf32>
    %reduce_sum3A = arith.constant dense<0.000000e+00> : vector<512xf32>
    %reduce_sum3A_9 = vector.multi_reduction <add>, %mul3A, %reduce_sum3A [1] : vector<512x32xf32> to vector<512xf32>
    %broadcast_in_dim3A_10 = vector.shape_cast %reduce_sum3A_9 : vector<512xf32> to vector<512x1xf32>
    %sqrt3A = math.sqrt %broadcast_in_dim3A_10 : vector<512x1xf32>
    %max3A = arith.constant 9.99999996E-13 : f32
    %max3A_11 = vector.broadcast %max3A : f32 to vector<512x1xf32>
    %max3A_12 = arith.maximumf %sqrt3A, %max3A_11 : vector<512x1xf32>
    %div3A = vector.broadcast %max3A_12 : vector<512x1xf32> to vector<512x32xf32>
    %div3A_13 = arith.divf %get3A_3, %div3A : vector<512x32xf32>
    %broadcast_in_dim3A_14 = arith.constant 0xFF800000 : f32
    %broadcast_in_dim3A_15 = vector.broadcast %broadcast_in_dim3A_14 : f32 to vector<512x128xf32>
    %broadcast_in_dim3A_16 = arith.constant 0.000000e+00 : f32
    %broadcast_in_dim3A_17 = vector.broadcast %broadcast_in_dim3A_16 : f32 to vector<512x128xf32>
    %get3A_18 = arith.constant 0 : index
    %get3A_19 = arith.constant 0 : index
    %get3A_20 = vector.load %arg5[%get3A_18, %get3A_19] : memref<8192x32xf32, #tpu.memory_space<vmem>>, vector<128x32xf32>
    %dot_general3A = arith.constant dense<0.000000e+00> : vector<512x128xf32>
    %dot_general3A_21 = tpu.matmul %div3A_13, %get3A_20, %dot_general3A {dimension_numbers = #tpu.dot_dimension_numbers<[1], [1], [0], [0], [0, 0, 1, 0], [], []>, transpose_lhs_hint = false} : vector<512x32xf32>, vector<128x32xf32>, vector<512x128xf32> -> vector<512x128xf32>
    %gt3A = arith.cmpf ogt, %dot_general3A_21, %broadcast_in_dim3A_15 : vector<512x128xf32>
    %jit3A = arith.constant 0.000000e+00 : f32
    %broadcast_in_dim3A_22 = vector.broadcast %jit3A : f32 to vector<512x128xf32>
    %select_n3A = arith.select %gt3A, %broadcast_in_dim3A_22, %broadcast_in_dim3A_17 : vector<512x128xi1>, vector<512x128xf32>
    %max3A_23 = arith.maximumf %dot_general3A_21, %broadcast_in_dim3A_15 : vector<512x128xf32>
    %get3A_24 = arith.constant 128 : index
    %get3A_25 = arith.constant 0 : index
    %get3A_26 = vector.load %arg5[%get3A_24, %get3A_25] : memref<8192x32xf32, #tpu.memory_space<vmem>>, vector<128x32xf32>
    %dot_general3A_27 = arith.constant dense<0.000000e+00> : vector<512x128xf32>
    %dot_general3A_28 = tpu.matmul %div3A_13, %get3A_26, %dot_general3A_27 {dimension_numbers = #tpu.dot_dimension_numbers<[1], [1], [0], [0], [0, 0, 1, 0], [], []>, transpose_lhs_hint = false} : vector<512x32xf32>, vector<128x32xf32>, vector<512x128xf32> -> vector<512x128xf32>
    %gt3A_29 = arith.cmpf ogt, %dot_general3A_28, %max3A_23 : vector<512x128xf32>
    %jit3A_30 = arith.constant 1.000000e+00 : f32
    %broadcast_in_dim3A_31 = vector.broadcast %jit3A_30 : f32 to vector<512x128xf32>
    %select_n3A_32 = arith.select %gt3A_29, %broadcast_in_dim3A_31, %select_n3A : vector<512x128xi1>, vector<512x128xf32>
    %max3A_33 = arith.maximumf %dot_general3A_28, %max3A_23 : vector<512x128xf32>
    %get3A_34 = arith.constant 256 : index
    %get3A_35 = arith.constant 0 : index
    %get3A_36 = vector.load %arg5[%get3A_34, %get3A_35] : memref<8192x32xf32, #tpu.memory_space<vmem>>, vector<128x32xf32>
    %dot_general3A_37 = arith.constant dense<0.000000e+00> : vector<512x128xf32>
    %dot_general3A_38 = tpu.matmul %div3A_13, %get3A_36, %dot_general3A_37 {dimension_numbers = #tpu.dot_dimension_numbers<[1], [1], [0], [0], [0, 0, 1, 0], [], []>, transpose_lhs_hint = false} : vector<512x32xf32>, vector<128x32xf32>, vector<512x128xf32> -> vector<512x128xf32>
    %gt3A_39 = arith.cmpf ogt, %dot_general3A_38, %max3A_33 : vector<512x128xf32>
    %jit3A_40 = arith.constant 2.000000e+00 : f32
    %broadcast_in_dim3A_41 = vector.broadcast %jit3A_40 : f32 to vector<512x128xf32>
    %select_n3A_42 = arith.select %gt3A_39, %broadcast_in_dim3A_41, %select_n3A_32 : vector<512x128xi1>, vector<512x128xf32>
    %max3A_43 = arith.maximumf %dot_general3A_38, %max3A_33 : vector<512x128xf32>
    %get3A_44 = arith.constant 384 : index
    %get3A_45 = arith.constant 0 : index
    %get3A_46 = vector.load %arg5[%get3A_44, %get3A_45] : memref<8192x32xf32, #tpu.memory_space<vmem>>, vector<128x32xf32>
    %dot_general3A_47 = arith.constant dense<0.000000e+00> : vector<512x128xf32>
    %dot_general3A_48 = tpu.matmul %div3A_13, %get3A_46, %dot_general3A_47 {dimension_numbers = #tpu.dot_dimension_numbers<[1], [1], [0], [0], [0, 0, 1, 0], [], []>, transpose_lhs_hint = false} : vector<512x32xf32>, vector<128x32xf32>, vector<512x128xf32> -> vector<512x128xf32>
    %gt3A_49 = arith.cmpf ogt, %dot_general3A_48, %max3A_43 : vector<512x128xf32>
    %jit3A_50 = arith.constant 3.000000e+00 : f32
    %broadcast_in_dim3A_51 = vector.broadcast %jit3A_50 : f32 to vector<512x128xf32>
    %select_n3A_52 = arith.select %gt3A_49, %broadcast_in_dim3A_51, %select_n3A_42 : vector<512x128xi1>, vector<512x128xf32>
    %max3A_53 = arith.maximumf %dot_general3A_48, %max3A_43 : vector<512x128xf32>
    %get3A_54 = arith.constant 512 : index
    %get3A_55 = arith.constant 0 : index
    %get3A_56 = vector.load %arg5[%get3A_54, %get3A_55] : memref<8192x32xf32, #tpu.memory_space<vmem>>, vector<128x32xf32>
    %dot_general3A_57 = arith.constant dense<0.000000e+00> : vector<512x128xf32>
    %dot_general3A_58 = tpu.matmul %div3A_13, %get3A_56, %dot_general3A_57 {dimension_numbers = #tpu.dot_dimension_numbers<[1], [1], [0], [0], [0, 0, 1, 0], [], []>, transpose_lhs_hint = false} : vector<512x32xf32>, vector<128x32xf32>, vector<512x128xf32> -> vector<512x128xf32>
    %gt3A_59 = arith.cmpf ogt, %dot_general3A_58, %max3A_53 : vector<512x128xf32>
    %jit3A_60 = arith.constant 4.000000e+00 : f32
    %broadcast_in_dim3A_61 = vector.broadcast %jit3A_60 : f32 to vector<512x128xf32>
    %select_n3A_62 = arith.select %gt3A_59, %broadcast_in_dim3A_61, %select_n3A_52 : vector<512x128xi1>, vector<512x128xf32>
    %max3A_63 = arith.maximumf %dot_general3A_58, %max3A_53 : vector<512x128xf32>
    %get3A_64 = arith.constant 640 : index
    %get3A_65 = arith.constant 0 : index
    %get3A_66 = vector.load %arg5[%get3A_64, %get3A_65] : memref<8192x32xf32, #tpu.memory_space<vmem>>, vector<128x32xf32>
    %dot_general3A_67 = arith.constant dense<0.000000e+00> : vector<512x128xf32>
    %dot_general3A_68 = tpu.matmul %div3A_13, %get3A_66, %dot_general3A_67 {dimension_numbers = #tpu.dot_dimension_numbers<[1], [1], [0], [0], [0, 0, 1, 0], [], []>, transpose_lhs_hint = false} : vector<512x32xf32>, vector<128x32xf32>, vector<512x128xf32> -> vector<512x128xf32>
    %gt3A_69 = arith.cmpf ogt, %dot_general3A_68, %max3A_63 : vector<512x128xf32>
    %jit3A_70 = arith.constant 5.000000e+00 : f32
    %broadcast_in_dim3A_71 = vector.broadcast %jit3A_70 : f32 to vector<512x128xf32>
    %select_n3A_72 = arith.select %gt3A_69, %broadcast_in_dim3A_71, %select_n3A_62 : vector<512x128xi1>, vector<512x128xf32>
    %max3A_73 = arith.maximumf %dot_general3A_68, %max3A_63 : vector<512x128xf32>
    %get3A_74 = arith.constant 768 : index
    %get3A_75 = arith.constant 0 : index
    %get3A_76 = vector.load %arg5[%get3A_74, %get3A_75] : memref<8192x32xf32, #tpu.memory_space<vmem>>, vector<128x32xf32>
    %dot_general3A_77 = arith.constant dense<0.000000e+00> : vector<512x128xf32>
    %dot_general3A_78 = tpu.matmul %div3A_13, %get3A_76, %dot_general3A_77 {dimension_numbers = #tpu.dot_dimension_numbers<[1], [1], [0], [0], [0, 0, 1, 0], [], []>, transpose_lhs_hint = false} : vector<512x32xf32>, vector<128x32xf32>, vector<512x128xf32> -> vector<512x128xf32>
    %gt3A_79 = arith.cmpf ogt, %dot_general3A_78, %max3A_73 : vector<512x128xf32>
    %jit3A_80 = arith.constant 6.000000e+00 : f32
    %broadcast_in_dim3A_81 = vector.broadcast %jit3A_80 : f32 to vector<512x128xf32>
    %select_n3A_82 = arith.select %gt3A_79, %broadcast_in_dim3A_81, %select_n3A_72 : vector<512x128xi1>, vector<512x128xf32>
    %max3A_83 = arith.maximumf %dot_general3A_78, %max3A_73 : vector<512x128xf32>
    %get3A_84 = arith.constant 896 : index
    %get3A_85 = arith.constant 0 : index
    %get3A_86 = vector.load %arg5[%get3A_84, %get3A_85] : memref<8192x32xf32, #tpu.memory_space<vmem>>, vector<128x32xf32>
    %dot_general3A_87 = arith.constant dense<0.000000e+00> : vector<512x128xf32>
    %dot_general3A_88 = tpu.matmul %div3A_13, %get3A_86, %dot_general3A_87 {dimension_numbers = #tpu.dot_dimension_numbers<[1], [1], [0], [0], [0, 0, 1, 0], [], []>, transpose_lhs_hint = false} : vector<512x32xf32>, vector<128x32xf32>, vector<512x128xf32> -> vector<512x128xf32>
    %gt3A_89 = arith.cmpf ogt, %dot_general3A_88, %max3A_83 : vector<512x128xf32>
    %jit3A_90 = arith.constant 7.000000e+00 : f32
    %broadcast_in_dim3A_91 = vector.broadcast %jit3A_90 : f32 to vector<512x128xf32>
    %select_n3A_92 = arith.select %gt3A_89, %broadcast_in_dim3A_91, %select_n3A_82 : vector<512x128xi1>, vector<512x128xf32>
    %max3A_93 = arith.maximumf %dot_general3A_88, %max3A_83 : vector<512x128xf32>
    %get3A_94 = arith.constant 1024 : index
    %get3A_95 = arith.constant 0 : index
    %get3A_96 = vector.load %arg5[%get3A_94, %get3A_95] : memref<8192x32xf32, #tpu.memory_space<vmem>>, vector<128x32xf32>
    %dot_general3A_97 = arith.constant dense<0.000000e+00> : vector<512x128xf32>
    %dot_general3A_98 = tpu.matmul %div3A_13, %get3A_96, %dot_general3A_97 {dimension_numbers = #tpu.dot_dimension_numbers<[1], [1], [0], [0], [0, 0, 1, 0], [], []>, transpose_lhs_hint = false} : vector<512x32xf32>, vector<128x32xf32>, vector<512x128xf32> -> vector<512x128xf32>
    %gt3A_99 = arith.cmpf ogt, %dot_general3A_98, %max3A_93 : vector<512x128xf32>
    %jit3A_100 = arith.constant 8.000000e+00 : f32
    %broadcast_in_dim3A_101 = vector.broadcast %jit3A_100 : f32 to vector<512x128xf32>
    %select_n3A_102 = arith.select %gt3A_99, %broadcast_in_dim3A_101, %select_n3A_92 : vector<512x128xi1>, vector<512x128xf32>
    %max3A_103 = arith.maximumf %dot_general3A_98, %max3A_93 : vector<512x128xf32>
    %get3A_104 = arith.constant 1152 : index
    %get3A_105 = arith.constant 0 : index
    %get3A_106 = vector.load %arg5[%get3A_104, %get3A_105] : memref<8192x32xf32, #tpu.memory_space<vmem>>, vector<128x32xf32>
    %dot_general3A_107 = arith.constant dense<0.000000e+00> : vector<512x128xf32>
    %dot_general3A_108 = tpu.matmul %div3A_13, %get3A_106, %dot_general3A_107 {dimension_numbers = #tpu.dot_dimension_numbers<[1], [1], [0], [0], [0, 0, 1, 0], [], []>, transpose_lhs_hint = false} : vector<512x32xf32>, vector<128x32xf32>, vector<512x128xf32> -> vector<512x128xf32>
    %gt3A_109 = arith.cmpf ogt, %dot_general3A_108, %max3A_103 : vector<512x128xf32>
    %jit3A_110 = arith.constant 9.000000e+00 : f32
    %broadcast_in_dim3A_111 = vector.broadcast %jit3A_110 : f32 to vector<512x128xf32>
    %select_n3A_112 = arith.select %gt3A_109, %broadcast_in_dim3A_111, %select_n3A_102 : vector<512x128xi1>, vector<512x128xf32>
    %max3A_113 = arith.maximumf %dot_general3A_108, %max3A_103 : vector<512x128xf32>
    %get3A_114 = arith.constant 1280 : index
    %get3A_115 = arith.constant 0 : index
    %get3A_116 = vector.load %arg5[%get3A_114, %get3A_115] : memref<8192x32xf32, #tpu.memory_space<vmem>>, vector<128x32xf32>
    %dot_general3A_117 = arith.constant dense<0.000000e+00> : vector<512x128xf32>
    %dot_general3A_118 = tpu.matmul %div3A_13, %get3A_116, %dot_general3A_117 {dimension_numbers = #tpu.dot_dimension_numbers<[1], [1], [0], [0], [0, 0, 1, 0], [], []>, transpose_lhs_hint = false} : vector<512x32xf32>, vector<128x32xf32>, vector<512x128xf32> -> vector<512x128xf32>
    %gt3A_119 = arith.cmpf ogt, %dot_general3A_118, %max3A_113 : vector<512x128xf32>
    %jit3A_120 = arith.constant 1.000000e+01 : f32
    %broadcast_in_dim3A_121 = vector.broadcast %jit3A_120 : f32 to vector<512x128xf32>
    %select_n3A_122 = arith.select %gt3A_119, %broadcast_in_dim3A_121, %select_n3A_112 : vector<512x128xi1>, vector<512x128xf32>
    %max3A_123 = arith.maximumf %dot_general3A_118, %max3A_113 : vector<512x128xf32>
    %get3A_124 = arith.constant 1408 : index
    %get3A_125 = arith.constant 0 : index
    %get3A_126 = vector.load %arg5[%get3A_124, %get3A_125] : memref<8192x32xf32, #tpu.memory_space<vmem>>, vector<128x32xf32>
    %dot_general3A_127 = arith.constant dense<0.000000e+00> : vector<512x128xf32>
    %dot_general3A_128 = tpu.matmul %div3A_13, %get3A_126, %dot_general3A_127 {dimension_numbers = #tpu.dot_dimension_numbers<[1], [1], [0], [0], [0, 0, 1, 0], [], []>, transpose_lhs_hint = false} : vector<512x32xf32>, vector<128x32xf32>, vector<512x128xf32> -> vector<512x128xf32>
    %gt3A_129 = arith.cmpf ogt, %dot_general3A_128, %max3A_123 : vector<512x128xf32>
    %jit3A_130 = arith.constant 1.100000e+01 : f32
    %broadcast_in_dim3A_131 = vector.broadcast %jit3A_130 : f32 to vector<512x128xf32>
    %select_n3A_132 = arith.select %gt3A_129, %broadcast_in_dim3A_131, %select_n3A_122 : vector<512x128xi1>, vector<512x128xf32>
    %max3A_133 = arith.maximumf %dot_general3A_128, %max3A_123 : vector<512x128xf32>
    %get3A_134 = arith.constant 1536 : index
    %get3A_135 = arith.constant 0 : index
    %get3A_136 = vector.load %arg5[%get3A_134, %get3A_135] : memref<8192x32xf32, #tpu.memory_space<vmem>>, vector<128x32xf32>
    %dot_general3A_137 = arith.constant dense<0.000000e+00> : vector<512x128xf32>
    %dot_general3A_138 = tpu.matmul %div3A_13, %get3A_136, %dot_general3A_137 {dimension_numbers = #tpu.dot_dimension_numbers<[1], [1], [0], [0], [0, 0, 1, 0], [], []>, transpose_lhs_hint = false} : vector<512x32xf32>, vector<128x32xf32>, vector<512x128xf32> -> vector<512x128xf32>
    %gt3A_139 = arith.cmpf ogt, %dot_general3A_138, %max3A_133 : vector<512x128xf32>
    %jit3A_140 = arith.constant 1.200000e+01 : f32
    %broadcast_in_dim3A_141 = vector.broadcast %jit3A_140 : f32 to vector<512x128xf32>
    %select_n3A_142 = arith.select %gt3A_139, %broadcast_in_dim3A_141, %select_n3A_132 : vector<512x128xi1>, vector<512x128xf32>
    %max3A_143 = arith.maximumf %dot_general3A_138, %max3A_133 : vector<512x128xf32>
    %get3A_144 = arith.constant 1664 : index
    %get3A_145 = arith.constant 0 : index
    %get3A_146 = vector.load %arg5[%get3A_144, %get3A_145] : memref<8192x32xf32, #tpu.memory_space<vmem>>, vector<128x32xf32>
    %dot_general3A_147 = arith.constant dense<0.000000e+00> : vector<512x128xf32>
    %dot_general3A_148 = tpu.matmul %div3A_13, %get3A_146, %dot_general3A_147 {dimension_numbers = #tpu.dot_dimension_numbers<[1], [1], [0], [0], [0, 0, 1, 0], [], []>, transpose_lhs_hint = false} : vector<512x32xf32>, vector<128x32xf32>, vector<512x128xf32> -> vector<512x128xf32>
    %gt3A_149 = arith.cmpf ogt, %dot_general3A_148, %max3A_143 : vector<512x128xf32>
    %jit3A_150 = arith.constant 1.300000e+01 : f32
    %broadcast_in_dim3A_151 = vector.broadcast %jit3A_150 : f32 to vector<512x128xf32>
    %select_n3A_152 = arith.select %gt3A_149, %broadcast_in_dim3A_151, %select_n3A_142 : vector<512x128xi1>, vector<512x128xf32>
    %max3A_153 = arith.maximumf %dot_general3A_148, %max3A_143 : vector<512x128xf32>
    %get3A_154 = arith.constant 1792 : index
    %get3A_155 = arith.constant 0 : index
    %get3A_156 = vector.load %arg5[%get3A_154, %get3A_155] : memref<8192x32xf32, #tpu.memory_space<vmem>>, vector<128x32xf32>
    %dot_general3A_157 = arith.constant dense<0.000000e+00> : vector<512x128xf32>
    %dot_general3A_158 = tpu.matmul %div3A_13, %get3A_156, %dot_general3A_157 {dimension_numbers = #tpu.dot_dimension_numbers<[1], [1], [0], [0], [0, 0, 1, 0], [], []>, transpose_lhs_hint = false} : vector<512x32xf32>, vector<128x32xf32>, vector<512x128xf32> -> vector<512x128xf32>
    %gt3A_159 = arith.cmpf ogt, %dot_general3A_158, %max3A_153 : vector<512x128xf32>
    %jit3A_160 = arith.constant 1.400000e+01 : f32
    %broadcast_in_dim3A_161 = vector.broadcast %jit3A_160 : f32 to vector<512x128xf32>
    %select_n3A_162 = arith.select %gt3A_159, %broadcast_in_dim3A_161, %select_n3A_152 : vector<512x128xi1>, vector<512x128xf32>
    %max3A_163 = arith.maximumf %dot_general3A_158, %max3A_153 : vector<512x128xf32>
    %get3A_164 = arith.constant 1920 : index
    %get3A_165 = arith.constant 0 : index
    %get3A_166 = vector.load %arg5[%get3A_164, %get3A_165] : memref<8192x32xf32, #tpu.memory_space<vmem>>, vector<128x32xf32>
    %dot_general3A_167 = arith.constant dense<0.000000e+00> : vector<512x128xf32>
    %dot_general3A_168 = tpu.matmul %div3A_13, %get3A_166, %dot_general3A_167 {dimension_numbers = #tpu.dot_dimension_numbers<[1], [1], [0], [0], [0, 0, 1, 0], [], []>, transpose_lhs_hint = false} : vector<512x32xf32>, vector<128x32xf32>, vector<512x128xf32> -> vector<512x128xf32>
    %gt3A_169 = arith.cmpf ogt, %dot_general3A_168, %max3A_163 : vector<512x128xf32>
    %jit3A_170 = arith.constant 1.500000e+01 : f32
    %broadcast_in_dim3A_171 = vector.broadcast %jit3A_170 : f32 to vector<512x128xf32>
    %select_n3A_172 = arith.select %gt3A_169, %broadcast_in_dim3A_171, %select_n3A_162 : vector<512x128xi1>, vector<512x128xf32>
    %max3A_173 = arith.maximumf %dot_general3A_168, %max3A_163 : vector<512x128xf32>
    %get3A_174 = arith.constant 2048 : index
    %get3A_175 = arith.constant 0 : index
    %get3A_176 = vector.load %arg5[%get3A_174, %get3A_175] : memref<8192x32xf32, #tpu.memory_space<vmem>>, vector<128x32xf32>
    %dot_general3A_177 = arith.constant dense<0.000000e+00> : vector<512x128xf32>
    %dot_general3A_178 = tpu.matmul %div3A_13, %get3A_176, %dot_general3A_177 {dimension_numbers = #tpu.dot_dimension_numbers<[1], [1], [0], [0], [0, 0, 1, 0], [], []>, transpose_lhs_hint = false} : vector<512x32xf32>, vector<128x32xf32>, vector<512x128xf32> -> vector<512x128xf32>
    %gt3A_179 = arith.cmpf ogt, %dot_general3A_178, %max3A_173 : vector<512x128xf32>
    %jit3A_180 = arith.constant 1.600000e+01 : f32
    %broadcast_in_dim3A_181 = vector.broadcast %jit3A_180 : f32 to vector<512x128xf32>
    %select_n3A_182 = arith.select %gt3A_179, %broadcast_in_dim3A_181, %select_n3A_172 : vector<512x128xi1>, vector<512x128xf32>
    %max3A_183 = arith.maximumf %dot_general3A_178, %max3A_173 : vector<512x128xf32>
    %get3A_184 = arith.constant 2176 : index
    %get3A_185 = arith.constant 0 : index
    %get3A_186 = vector.load %arg5[%get3A_184, %get3A_185] : memref<8192x32xf32, #tpu.memory_space<vmem>>, vector<128x32xf32>
    %dot_general3A_187 = arith.constant dense<0.000000e+00> : vector<512x128xf32>
    %dot_general3A_188 = tpu.matmul %div3A_13, %get3A_186, %dot_general3A_187 {dimension_numbers = #tpu.dot_dimension_numbers<[1], [1], [0], [0], [0, 0, 1, 0], [], []>, transpose_lhs_hint = false} : vector<512x32xf32>, vector<128x32xf32>, vector<512x128xf32> -> vector<512x128xf32>
    %gt3A_189 = arith.cmpf ogt, %dot_general3A_188, %max3A_183 : vector<512x128xf32>
    %jit3A_190 = arith.constant 1.700000e+01 : f32
    %broadcast_in_dim3A_191 = vector.broadcast %jit3A_190 : f32 to vector<512x128xf32>
    %select_n3A_192 = arith.select %gt3A_189, %broadcast_in_dim3A_191, %select_n3A_182 : vector<512x128xi1>, vector<512x128xf32>
    %max3A_193 = arith.maximumf %dot_general3A_188, %max3A_183 : vector<512x128xf32>
    %get3A_194 = arith.constant 2304 : index
    %get3A_195 = arith.constant 0 : index
    %get3A_196 = vector.load %arg5[%get3A_194, %get3A_195] : memref<8192x32xf32, #tpu.memory_space<vmem>>, vector<128x32xf32>
    %dot_general3A_197 = arith.constant dense<0.000000e+00> : vector<512x128xf32>
    %dot_general3A_198 = tpu.matmul %div3A_13, %get3A_196, %dot_general3A_197 {dimension_numbers = #tpu.dot_dimension_numbers<[1], [1], [0], [0], [0, 0, 1, 0], [], []>, transpose_lhs_hint = false} : vector<512x32xf32>, vector<128x32xf32>, vector<512x128xf32> -> vector<512x128xf32>
    %gt3A_199 = arith.cmpf ogt, %dot_general3A_198, %max3A_193 : vector<512x128xf32>
    %jit3A_200 = arith.constant 1.800000e+01 : f32
    %broadcast_in_dim3A_201 = vector.broadcast %jit3A_200 : f32 to vector<512x128xf32>
    %select_n3A_202 = arith.select %gt3A_199, %broadcast_in_dim3A_201, %select_n3A_192 : vector<512x128xi1>, vector<512x128xf32>
    %max3A_203 = arith.maximumf %dot_general3A_198, %max3A_193 : vector<512x128xf32>
    %get3A_204 = arith.constant 2432 : index
    %get3A_205 = arith.constant 0 : index
    %get3A_206 = vector.load %arg5[%get3A_204, %get3A_205] : memref<8192x32xf32, #tpu.memory_space<vmem>>, vector<128x32xf32>
    %dot_general3A_207 = arith.constant dense<0.000000e+00> : vector<512x128xf32>
    %dot_general3A_208 = tpu.matmul %div3A_13, %get3A_206, %dot_general3A_207 {dimension_numbers = #tpu.dot_dimension_numbers<[1], [1], [0], [0], [0, 0, 1, 0], [], []>, transpose_lhs_hint = false} : vector<512x32xf32>, vector<128x32xf32>, vector<512x128xf32> -> vector<512x128xf32>
    %gt3A_209 = arith.cmpf ogt, %dot_general3A_208, %max3A_203 : vector<512x128xf32>
    %jit3A_210 = arith.constant 1.900000e+01 : f32
    %broadcast_in_dim3A_211 = vector.broadcast %jit3A_210 : f32 to vector<512x128xf32>
    %select_n3A_212 = arith.select %gt3A_209, %broadcast_in_dim3A_211, %select_n3A_202 : vector<512x128xi1>, vector<512x128xf32>
    %max3A_213 = arith.maximumf %dot_general3A_208, %max3A_203 : vector<512x128xf32>
    %get3A_214 = arith.constant 2560 : index
    %get3A_215 = arith.constant 0 : index
    %get3A_216 = vector.load %arg5[%get3A_214, %get3A_215] : memref<8192x32xf32, #tpu.memory_space<vmem>>, vector<128x32xf32>
    %dot_general3A_217 = arith.constant dense<0.000000e+00> : vector<512x128xf32>
    %dot_general3A_218 = tpu.matmul %div3A_13, %get3A_216, %dot_general3A_217 {dimension_numbers = #tpu.dot_dimension_numbers<[1], [1], [0], [0], [0, 0, 1, 0], [], []>, transpose_lhs_hint = false} : vector<512x32xf32>, vector<128x32xf32>, vector<512x128xf32> -> vector<512x128xf32>
    %gt3A_219 = arith.cmpf ogt, %dot_general3A_218, %max3A_213 : vector<512x128xf32>
    %jit3A_220 = arith.constant 2.000000e+01 : f32
    %broadcast_in_dim3A_221 = vector.broadcast %jit3A_220 : f32 to vector<512x128xf32>
    %select_n3A_222 = arith.select %gt3A_219, %broadcast_in_dim3A_221, %select_n3A_212 : vector<512x128xi1>, vector<512x128xf32>
    %max3A_223 = arith.maximumf %dot_general3A_218, %max3A_213 : vector<512x128xf32>
    %get3A_224 = arith.constant 2688 : index
    %get3A_225 = arith.constant 0 : index
    %get3A_226 = vector.load %arg5[%get3A_224, %get3A_225] : memref<8192x32xf32, #tpu.memory_space<vmem>>, vector<128x32xf32>
    %dot_general3A_227 = arith.constant dense<0.000000e+00> : vector<512x128xf32>
    %dot_general3A_228 = tpu.matmul %div3A_13, %get3A_226, %dot_general3A_227 {dimension_numbers = #tpu.dot_dimension_numbers<[1], [1], [0], [0], [0, 0, 1, 0], [], []>, transpose_lhs_hint = false} : vector<512x32xf32>, vector<128x32xf32>, vector<512x128xf32> -> vector<512x128xf32>
    %gt3A_229 = arith.cmpf ogt, %dot_general3A_228, %max3A_223 : vector<512x128xf32>
    %jit3A_230 = arith.constant 2.100000e+01 : f32
    %broadcast_in_dim3A_231 = vector.broadcast %jit3A_230 : f32 to vector<512x128xf32>
    %select_n3A_232 = arith.select %gt3A_229, %broadcast_in_dim3A_231, %select_n3A_222 : vector<512x128xi1>, vector<512x128xf32>
    %max3A_233 = arith.maximumf %dot_general3A_228, %max3A_223 : vector<512x128xf32>
    %get3A_234 = arith.constant 2816 : index
    %get3A_235 = arith.constant 0 : index
    %get3A_236 = vector.load %arg5[%get3A_234, %get3A_235] : memref<8192x32xf32, #tpu.memory_space<vmem>>, vector<128x32xf32>
    %dot_general3A_237 = arith.constant dense<0.000000e+00> : vector<512x128xf32>
    %dot_general3A_238 = tpu.matmul %div3A_13, %get3A_236, %dot_general3A_237 {dimension_numbers = #tpu.dot_dimension_numbers<[1], [1], [0], [0], [0, 0, 1, 0], [], []>, transpose_lhs_hint = false} : vector<512x32xf32>, vector<128x32xf32>, vector<512x128xf32> -> vector<512x128xf32>
    %gt3A_239 = arith.cmpf ogt, %dot_general3A_238, %max3A_233 : vector<512x128xf32>
    %jit3A_240 = arith.constant 2.200000e+01 : f32
    %broadcast_in_dim3A_241 = vector.broadcast %jit3A_240 : f32 to vector<512x128xf32>
    %select_n3A_242 = arith.select %gt3A_239, %broadcast_in_dim3A_241, %select_n3A_232 : vector<512x128xi1>, vector<512x128xf32>
    %max3A_243 = arith.maximumf %dot_general3A_238, %max3A_233 : vector<512x128xf32>
    %get3A_244 = arith.constant 2944 : index
    %get3A_245 = arith.constant 0 : index
    %get3A_246 = vector.load %arg5[%get3A_244, %get3A_245] : memref<8192x32xf32, #tpu.memory_space<vmem>>, vector<128x32xf32>
    %dot_general3A_247 = arith.constant dense<0.000000e+00> : vector<512x128xf32>
    %dot_general3A_248 = tpu.matmul %div3A_13, %get3A_246, %dot_general3A_247 {dimension_numbers = #tpu.dot_dimension_numbers<[1], [1], [0], [0], [0, 0, 1, 0], [], []>, transpose_lhs_hint = false} : vector<512x32xf32>, vector<128x32xf32>, vector<512x128xf32> -> vector<512x128xf32>
    %gt3A_249 = arith.cmpf ogt, %dot_general3A_248, %max3A_243 : vector<512x128xf32>
    %jit3A_250 = arith.constant 2.300000e+01 : f32
    %broadcast_in_dim3A_251 = vector.broadcast %jit3A_250 : f32 to vector<512x128xf32>
    %select_n3A_252 = arith.select %gt3A_249, %broadcast_in_dim3A_251, %select_n3A_242 : vector<512x128xi1>, vector<512x128xf32>
    %max3A_253 = arith.maximumf %dot_general3A_248, %max3A_243 : vector<512x128xf32>
    %get3A_254 = arith.constant 3072 : index
    %get3A_255 = arith.constant 0 : index
    %get3A_256 = vector.load %arg5[%get3A_254, %get3A_255] : memref<8192x32xf32, #tpu.memory_space<vmem>>, vector<128x32xf32>
    %dot_general3A_257 = arith.constant dense<0.000000e+00> : vector<512x128xf32>
    %dot_general3A_258 = tpu.matmul %div3A_13, %get3A_256, %dot_general3A_257 {dimension_numbers = #tpu.dot_dimension_numbers<[1], [1], [0], [0], [0, 0, 1, 0], [], []>, transpose_lhs_hint = false} : vector<512x32xf32>, vector<128x32xf32>, vector<512x128xf32> -> vector<512x128xf32>
    %gt3A_259 = arith.cmpf ogt, %dot_general3A_258, %max3A_253 : vector<512x128xf32>
    %jit3A_260 = arith.constant 2.400000e+01 : f32
    %broadcast_in_dim3A_261 = vector.broadcast %jit3A_260 : f32 to vector<512x128xf32>
    %select_n3A_262 = arith.select %gt3A_259, %broadcast_in_dim3A_261, %select_n3A_252 : vector<512x128xi1>, vector<512x128xf32>
    %max3A_263 = arith.maximumf %dot_general3A_258, %max3A_253 : vector<512x128xf32>
    %get3A_264 = arith.constant 3200 : index
    %get3A_265 = arith.constant 0 : index
    %get3A_266 = vector.load %arg5[%get3A_264, %get3A_265] : memref<8192x32xf32, #tpu.memory_space<vmem>>, vector<128x32xf32>
    %dot_general3A_267 = arith.constant dense<0.000000e+00> : vector<512x128xf32>
    %dot_general3A_268 = tpu.matmul %div3A_13, %get3A_266, %dot_general3A_267 {dimension_numbers = #tpu.dot_dimension_numbers<[1], [1], [0], [0], [0, 0, 1, 0], [], []>, transpose_lhs_hint = false} : vector<512x32xf32>, vector<128x32xf32>, vector<512x128xf32> -> vector<512x128xf32>
    %gt3A_269 = arith.cmpf ogt, %dot_general3A_268, %max3A_263 : vector<512x128xf32>
    %jit3A_270 = arith.constant 2.500000e+01 : f32
    %broadcast_in_dim3A_271 = vector.broadcast %jit3A_270 : f32 to vector<512x128xf32>
    %select_n3A_272 = arith.select %gt3A_269, %broadcast_in_dim3A_271, %select_n3A_262 : vector<512x128xi1>, vector<512x128xf32>
    %max3A_273 = arith.maximumf %dot_general3A_268, %max3A_263 : vector<512x128xf32>
    %get3A_274 = arith.constant 3328 : index
    %get3A_275 = arith.constant 0 : index
    %get3A_276 = vector.load %arg5[%get3A_274, %get3A_275] : memref<8192x32xf32, #tpu.memory_space<vmem>>, vector<128x32xf32>
    %dot_general3A_277 = arith.constant dense<0.000000e+00> : vector<512x128xf32>
    %dot_general3A_278 = tpu.matmul %div3A_13, %get3A_276, %dot_general3A_277 {dimension_numbers = #tpu.dot_dimension_numbers<[1], [1], [0], [0], [0, 0, 1, 0], [], []>, transpose_lhs_hint = false} : vector<512x32xf32>, vector<128x32xf32>, vector<512x128xf32> -> vector<512x128xf32>
    %gt3A_279 = arith.cmpf ogt, %dot_general3A_278, %max3A_273 : vector<512x128xf32>
    %jit3A_280 = arith.constant 2.600000e+01 : f32
    %broadcast_in_dim3A_281 = vector.broadcast %jit3A_280 : f32 to vector<512x128xf32>
    %select_n3A_282 = arith.select %gt3A_279, %broadcast_in_dim3A_281, %select_n3A_272 : vector<512x128xi1>, vector<512x128xf32>
    %max3A_283 = arith.maximumf %dot_general3A_278, %max3A_273 : vector<512x128xf32>
    %get3A_284 = arith.constant 3456 : index
    %get3A_285 = arith.constant 0 : index
    %get3A_286 = vector.load %arg5[%get3A_284, %get3A_285] : memref<8192x32xf32, #tpu.memory_space<vmem>>, vector<128x32xf32>
    %dot_general3A_287 = arith.constant dense<0.000000e+00> : vector<512x128xf32>
    %dot_general3A_288 = tpu.matmul %div3A_13, %get3A_286, %dot_general3A_287 {dimension_numbers = #tpu.dot_dimension_numbers<[1], [1], [0], [0], [0, 0, 1, 0], [], []>, transpose_lhs_hint = false} : vector<512x32xf32>, vector<128x32xf32>, vector<512x128xf32> -> vector<512x128xf32>
    %gt3A_289 = arith.cmpf ogt, %dot_general3A_288, %max3A_283 : vector<512x128xf32>
    %jit3A_290 = arith.constant 2.700000e+01 : f32
    %broadcast_in_dim3A_291 = vector.broadcast %jit3A_290 : f32 to vector<512x128xf32>
    %select_n3A_292 = arith.select %gt3A_289, %broadcast_in_dim3A_291, %select_n3A_282 : vector<512x128xi1>, vector<512x128xf32>
    %max3A_293 = arith.maximumf %dot_general3A_288, %max3A_283 : vector<512x128xf32>
    %get3A_294 = arith.constant 3584 : index
    %get3A_295 = arith.constant 0 : index
    %get3A_296 = vector.load %arg5[%get3A_294, %get3A_295] : memref<8192x32xf32, #tpu.memory_space<vmem>>, vector<128x32xf32>
    %dot_general3A_297 = arith.constant dense<0.000000e+00> : vector<512x128xf32>
    %dot_general3A_298 = tpu.matmul %div3A_13, %get3A_296, %dot_general3A_297 {dimension_numbers = #tpu.dot_dimension_numbers<[1], [1], [0], [0], [0, 0, 1, 0], [], []>, transpose_lhs_hint = false} : vector<512x32xf32>, vector<128x32xf32>, vector<512x128xf32> -> vector<512x128xf32>
    %gt3A_299 = arith.cmpf ogt, %dot_general3A_298, %max3A_293 : vector<512x128xf32>
    %jit3A_300 = arith.constant 2.800000e+01 : f32
    %broadcast_in_dim3A_301 = vector.broadcast %jit3A_300 : f32 to vector<512x128xf32>
    %select_n3A_302 = arith.select %gt3A_299, %broadcast_in_dim3A_301, %select_n3A_292 : vector<512x128xi1>, vector<512x128xf32>
    %max3A_303 = arith.maximumf %dot_general3A_298, %max3A_293 : vector<512x128xf32>
    %get3A_304 = arith.constant 3712 : index
    %get3A_305 = arith.constant 0 : index
    %get3A_306 = vector.load %arg5[%get3A_304, %get3A_305] : memref<8192x32xf32, #tpu.memory_space<vmem>>, vector<128x32xf32>
    %dot_general3A_307 = arith.constant dense<0.000000e+00> : vector<512x128xf32>
    %dot_general3A_308 = tpu.matmul %div3A_13, %get3A_306, %dot_general3A_307 {dimension_numbers = #tpu.dot_dimension_numbers<[1], [1], [0], [0], [0, 0, 1, 0], [], []>, transpose_lhs_hint = false} : vector<512x32xf32>, vector<128x32xf32>, vector<512x128xf32> -> vector<512x128xf32>
    %gt3A_309 = arith.cmpf ogt, %dot_general3A_308, %max3A_303 : vector<512x128xf32>
    %jit3A_310 = arith.constant 2.900000e+01 : f32
    %broadcast_in_dim3A_311 = vector.broadcast %jit3A_310 : f32 to vector<512x128xf32>
    %select_n3A_312 = arith.select %gt3A_309, %broadcast_in_dim3A_311, %select_n3A_302 : vector<512x128xi1>, vector<512x128xf32>
    %max3A_313 = arith.maximumf %dot_general3A_308, %max3A_303 : vector<512x128xf32>
    %get3A_314 = arith.constant 3840 : index
    %get3A_315 = arith.constant 0 : index
    %get3A_316 = vector.load %arg5[%get3A_314, %get3A_315] : memref<8192x32xf32, #tpu.memory_space<vmem>>, vector<128x32xf32>
    %dot_general3A_317 = arith.constant dense<0.000000e+00> : vector<512x128xf32>
    %dot_general3A_318 = tpu.matmul %div3A_13, %get3A_316, %dot_general3A_317 {dimension_numbers = #tpu.dot_dimension_numbers<[1], [1], [0], [0], [0, 0, 1, 0], [], []>, transpose_lhs_hint = false} : vector<512x32xf32>, vector<128x32xf32>, vector<512x128xf32> -> vector<512x128xf32>
    %gt3A_319 = arith.cmpf ogt, %dot_general3A_318, %max3A_313 : vector<512x128xf32>
    %jit3A_320 = arith.constant 3.000000e+01 : f32
    %broadcast_in_dim3A_321 = vector.broadcast %jit3A_320 : f32 to vector<512x128xf32>
    %select_n3A_322 = arith.select %gt3A_319, %broadcast_in_dim3A_321, %select_n3A_312 : vector<512x128xi1>, vector<512x128xf32>
    %max3A_323 = arith.maximumf %dot_general3A_318, %max3A_313 : vector<512x128xf32>
    %get3A_324 = arith.constant 3968 : index
    %get3A_325 = arith.constant 0 : index
    %get3A_326 = vector.load %arg5[%get3A_324, %get3A_325] : memref<8192x32xf32, #tpu.memory_space<vmem>>, vector<128x32xf32>
    %dot_general3A_327 = arith.constant dense<0.000000e+00> : vector<512x128xf32>
    %dot_general3A_328 = tpu.matmul %div3A_13, %get3A_326, %dot_general3A_327 {dimension_numbers = #tpu.dot_dimension_numbers<[1], [1], [0], [0], [0, 0, 1, 0], [], []>, transpose_lhs_hint = false} : vector<512x32xf32>, vector<128x32xf32>, vector<512x128xf32> -> vector<512x128xf32>
    %gt3A_329 = arith.cmpf ogt, %dot_general3A_328, %max3A_323 : vector<512x128xf32>
    %jit3A_330 = arith.constant 3.100000e+01 : f32
    %broadcast_in_dim3A_331 = vector.broadcast %jit3A_330 : f32 to vector<512x128xf32>
    %select_n3A_332 = arith.select %gt3A_329, %broadcast_in_dim3A_331, %select_n3A_322 : vector<512x128xi1>, vector<512x128xf32>
    %max3A_333 = arith.maximumf %dot_general3A_328, %max3A_323 : vector<512x128xf32>
    %get3A_334 = arith.constant 4096 : index
    %get3A_335 = arith.constant 0 : index
    %get3A_336 = vector.load %arg5[%get3A_334, %get3A_335] : memref<8192x32xf32, #tpu.memory_space<vmem>>, vector<128x32xf32>
    %dot_general3A_337 = arith.constant dense<0.000000e+00> : vector<512x128xf32>
    %dot_general3A_338 = tpu.matmul %div3A_13, %get3A_336, %dot_general3A_337 {dimension_numbers = #tpu.dot_dimension_numbers<[1], [1], [0], [0], [0, 0, 1, 0], [], []>, transpose_lhs_hint = false} : vector<512x32xf32>, vector<128x32xf32>, vector<512x128xf32> -> vector<512x128xf32>
    %gt3A_339 = arith.cmpf ogt, %dot_general3A_338, %max3A_333 : vector<512x128xf32>
    %jit3A_340 = arith.constant 3.200000e+01 : f32
    %broadcast_in_dim3A_341 = vector.broadcast %jit3A_340 : f32 to vector<512x128xf32>
    %select_n3A_342 = arith.select %gt3A_339, %broadcast_in_dim3A_341, %select_n3A_332 : vector<512x128xi1>, vector<512x128xf32>
    %max3A_343 = arith.maximumf %dot_general3A_338, %max3A_333 : vector<512x128xf32>
    %get3A_344 = arith.constant 4224 : index
    %get3A_345 = arith.constant 0 : index
    %get3A_346 = vector.load %arg5[%get3A_344, %get3A_345] : memref<8192x32xf32, #tpu.memory_space<vmem>>, vector<128x32xf32>
    %dot_general3A_347 = arith.constant dense<0.000000e+00> : vector<512x128xf32>
    %dot_general3A_348 = tpu.matmul %div3A_13, %get3A_346, %dot_general3A_347 {dimension_numbers = #tpu.dot_dimension_numbers<[1], [1], [0], [0], [0, 0, 1, 0], [], []>, transpose_lhs_hint = false} : vector<512x32xf32>, vector<128x32xf32>, vector<512x128xf32> -> vector<512x128xf32>
    %gt3A_349 = arith.cmpf ogt, %dot_general3A_348, %max3A_343 : vector<512x128xf32>
    %jit3A_350 = arith.constant 3.300000e+01 : f32
    %broadcast_in_dim3A_351 = vector.broadcast %jit3A_350 : f32 to vector<512x128xf32>
    %select_n3A_352 = arith.select %gt3A_349, %broadcast_in_dim3A_351, %select_n3A_342 : vector<512x128xi1>, vector<512x128xf32>
    %max3A_353 = arith.maximumf %dot_general3A_348, %max3A_343 : vector<512x128xf32>
    %get3A_354 = arith.constant 4352 : index
    %get3A_355 = arith.constant 0 : index
    %get3A_356 = vector.load %arg5[%get3A_354, %get3A_355] : memref<8192x32xf32, #tpu.memory_space<vmem>>, vector<128x32xf32>
    %dot_general3A_357 = arith.constant dense<0.000000e+00> : vector<512x128xf32>
    %dot_general3A_358 = tpu.matmul %div3A_13, %get3A_356, %dot_general3A_357 {dimension_numbers = #tpu.dot_dimension_numbers<[1], [1], [0], [0], [0, 0, 1, 0], [], []>, transpose_lhs_hint = false} : vector<512x32xf32>, vector<128x32xf32>, vector<512x128xf32> -> vector<512x128xf32>
    %gt3A_359 = arith.cmpf ogt, %dot_general3A_358, %max3A_353 : vector<512x128xf32>
    %jit3A_360 = arith.constant 3.400000e+01 : f32
    %broadcast_in_dim3A_361 = vector.broadcast %jit3A_360 : f32 to vector<512x128xf32>
    %select_n3A_362 = arith.select %gt3A_359, %broadcast_in_dim3A_361, %select_n3A_352 : vector<512x128xi1>, vector<512x128xf32>
    %max3A_363 = arith.maximumf %dot_general3A_358, %max3A_353 : vector<512x128xf32>
    %get3A_364 = arith.constant 4480 : index
    %get3A_365 = arith.constant 0 : index
    %get3A_366 = vector.load %arg5[%get3A_364, %get3A_365] : memref<8192x32xf32, #tpu.memory_space<vmem>>, vector<128x32xf32>
    %dot_general3A_367 = arith.constant dense<0.000000e+00> : vector<512x128xf32>
    %dot_general3A_368 = tpu.matmul %div3A_13, %get3A_366, %dot_general3A_367 {dimension_numbers = #tpu.dot_dimension_numbers<[1], [1], [0], [0], [0, 0, 1, 0], [], []>, transpose_lhs_hint = false} : vector<512x32xf32>, vector<128x32xf32>, vector<512x128xf32> -> vector<512x128xf32>
    %gt3A_369 = arith.cmpf ogt, %dot_general3A_368, %max3A_363 : vector<512x128xf32>
    %jit3A_370 = arith.constant 3.500000e+01 : f32
    %broadcast_in_dim3A_371 = vector.broadcast %jit3A_370 : f32 to vector<512x128xf32>
    %select_n3A_372 = arith.select %gt3A_369, %broadcast_in_dim3A_371, %select_n3A_362 : vector<512x128xi1>, vector<512x128xf32>
    %max3A_373 = arith.maximumf %dot_general3A_368, %max3A_363 : vector<512x128xf32>
    %get3A_374 = arith.constant 4608 : index
    %get3A_375 = arith.constant 0 : index
    %get3A_376 = vector.load %arg5[%get3A_374, %get3A_375] : memref<8192x32xf32, #tpu.memory_space<vmem>>, vector<128x32xf32>
    %dot_general3A_377 = arith.constant dense<0.000000e+00> : vector<512x128xf32>
    %dot_general3A_378 = tpu.matmul %div3A_13, %get3A_376, %dot_general3A_377 {dimension_numbers = #tpu.dot_dimension_numbers<[1], [1], [0], [0], [0, 0, 1, 0], [], []>, transpose_lhs_hint = false} : vector<512x32xf32>, vector<128x32xf32>, vector<512x128xf32> -> vector<512x128xf32>
    %gt3A_379 = arith.cmpf ogt, %dot_general3A_378, %max3A_373 : vector<512x128xf32>
    %jit3A_380 = arith.constant 3.600000e+01 : f32
    %broadcast_in_dim3A_381 = vector.broadcast %jit3A_380 : f32 to vector<512x128xf32>
    %select_n3A_382 = arith.select %gt3A_379, %broadcast_in_dim3A_381, %select_n3A_372 : vector<512x128xi1>, vector<512x128xf32>
    %max3A_383 = arith.maximumf %dot_general3A_378, %max3A_373 : vector<512x128xf32>
    %get3A_384 = arith.constant 4736 : index
    %get3A_385 = arith.constant 0 : index
    %get3A_386 = vector.load %arg5[%get3A_384, %get3A_385] : memref<8192x32xf32, #tpu.memory_space<vmem>>, vector<128x32xf32>
    %dot_general3A_387 = arith.constant dense<0.000000e+00> : vector<512x128xf32>
    %dot_general3A_388 = tpu.matmul %div3A_13, %get3A_386, %dot_general3A_387 {dimension_numbers = #tpu.dot_dimension_numbers<[1], [1], [0], [0], [0, 0, 1, 0], [], []>, transpose_lhs_hint = false} : vector<512x32xf32>, vector<128x32xf32>, vector<512x128xf32> -> vector<512x128xf32>
    %gt3A_389 = arith.cmpf ogt, %dot_general3A_388, %max3A_383 : vector<512x128xf32>
    %jit3A_390 = arith.constant 3.700000e+01 : f32
    %broadcast_in_dim3A_391 = vector.broadcast %jit3A_390 : f32 to vector<512x128xf32>
    %select_n3A_392 = arith.select %gt3A_389, %broadcast_in_dim3A_391, %select_n3A_382 : vector<512x128xi1>, vector<512x128xf32>
    %max3A_393 = arith.maximumf %dot_general3A_388, %max3A_383 : vector<512x128xf32>
    %get3A_394 = arith.constant 4864 : index
    %get3A_395 = arith.constant 0 : index
    %get3A_396 = vector.load %arg5[%get3A_394, %get3A_395] : memref<8192x32xf32, #tpu.memory_space<vmem>>, vector<128x32xf32>
    %dot_general3A_397 = arith.constant dense<0.000000e+00> : vector<512x128xf32>
    %dot_general3A_398 = tpu.matmul %div3A_13, %get3A_396, %dot_general3A_397 {dimension_numbers = #tpu.dot_dimension_numbers<[1], [1], [0], [0], [0, 0, 1, 0], [], []>, transpose_lhs_hint = false} : vector<512x32xf32>, vector<128x32xf32>, vector<512x128xf32> -> vector<512x128xf32>
    %gt3A_399 = arith.cmpf ogt, %dot_general3A_398, %max3A_393 : vector<512x128xf32>
    %jit3A_400 = arith.constant 3.800000e+01 : f32
    %broadcast_in_dim3A_401 = vector.broadcast %jit3A_400 : f32 to vector<512x128xf32>
    %select_n3A_402 = arith.select %gt3A_399, %broadcast_in_dim3A_401, %select_n3A_392 : vector<512x128xi1>, vector<512x128xf32>
    %max3A_403 = arith.maximumf %dot_general3A_398, %max3A_393 : vector<512x128xf32>
    %get3A_404 = arith.constant 4992 : index
    %get3A_405 = arith.constant 0 : index
    %get3A_406 = vector.load %arg5[%get3A_404, %get3A_405] : memref<8192x32xf32, #tpu.memory_space<vmem>>, vector<128x32xf32>
    %dot_general3A_407 = arith.constant dense<0.000000e+00> : vector<512x128xf32>
    %dot_general3A_408 = tpu.matmul %div3A_13, %get3A_406, %dot_general3A_407 {dimension_numbers = #tpu.dot_dimension_numbers<[1], [1], [0], [0], [0, 0, 1, 0], [], []>, transpose_lhs_hint = false} : vector<512x32xf32>, vector<128x32xf32>, vector<512x128xf32> -> vector<512x128xf32>
    %gt3A_409 = arith.cmpf ogt, %dot_general3A_408, %max3A_403 : vector<512x128xf32>
    %jit3A_410 = arith.constant 3.900000e+01 : f32
    %broadcast_in_dim3A_411 = vector.broadcast %jit3A_410 : f32 to vector<512x128xf32>
    %select_n3A_412 = arith.select %gt3A_409, %broadcast_in_dim3A_411, %select_n3A_402 : vector<512x128xi1>, vector<512x128xf32>
    %max3A_413 = arith.maximumf %dot_general3A_408, %max3A_403 : vector<512x128xf32>
    %get3A_414 = arith.constant 5120 : index
    %get3A_415 = arith.constant 0 : index
    %get3A_416 = vector.load %arg5[%get3A_414, %get3A_415] : memref<8192x32xf32, #tpu.memory_space<vmem>>, vector<128x32xf32>
    %dot_general3A_417 = arith.constant dense<0.000000e+00> : vector<512x128xf32>
    %dot_general3A_418 = tpu.matmul %div3A_13, %get3A_416, %dot_general3A_417 {dimension_numbers = #tpu.dot_dimension_numbers<[1], [1], [0], [0], [0, 0, 1, 0], [], []>, transpose_lhs_hint = false} : vector<512x32xf32>, vector<128x32xf32>, vector<512x128xf32> -> vector<512x128xf32>
    %gt3A_419 = arith.cmpf ogt, %dot_general3A_418, %max3A_413 : vector<512x128xf32>
    %jit3A_420 = arith.constant 4.000000e+01 : f32
    %broadcast_in_dim3A_421 = vector.broadcast %jit3A_420 : f32 to vector<512x128xf32>
    %select_n3A_422 = arith.select %gt3A_419, %broadcast_in_dim3A_421, %select_n3A_412 : vector<512x128xi1>, vector<512x128xf32>
    %max3A_423 = arith.maximumf %dot_general3A_418, %max3A_413 : vector<512x128xf32>
    %get3A_424 = arith.constant 5248 : index
    %get3A_425 = arith.constant 0 : index
    %get3A_426 = vector.load %arg5[%get3A_424, %get3A_425] : memref<8192x32xf32, #tpu.memory_space<vmem>>, vector<128x32xf32>
    %dot_general3A_427 = arith.constant dense<0.000000e+00> : vector<512x128xf32>
    %dot_general3A_428 = tpu.matmul %div3A_13, %get3A_426, %dot_general3A_427 {dimension_numbers = #tpu.dot_dimension_numbers<[1], [1], [0], [0], [0, 0, 1, 0], [], []>, transpose_lhs_hint = false} : vector<512x32xf32>, vector<128x32xf32>, vector<512x128xf32> -> vector<512x128xf32>
    %gt3A_429 = arith.cmpf ogt, %dot_general3A_428, %max3A_423 : vector<512x128xf32>
    %jit3A_430 = arith.constant 4.100000e+01 : f32
    %broadcast_in_dim3A_431 = vector.broadcast %jit3A_430 : f32 to vector<512x128xf32>
    %select_n3A_432 = arith.select %gt3A_429, %broadcast_in_dim3A_431, %select_n3A_422 : vector<512x128xi1>, vector<512x128xf32>
    %max3A_433 = arith.maximumf %dot_general3A_428, %max3A_423 : vector<512x128xf32>
    %get3A_434 = arith.constant 5376 : index
    %get3A_435 = arith.constant 0 : index
    %get3A_436 = vector.load %arg5[%get3A_434, %get3A_435] : memref<8192x32xf32, #tpu.memory_space<vmem>>, vector<128x32xf32>
    %dot_general3A_437 = arith.constant dense<0.000000e+00> : vector<512x128xf32>
    %dot_general3A_438 = tpu.matmul %div3A_13, %get3A_436, %dot_general3A_437 {dimension_numbers = #tpu.dot_dimension_numbers<[1], [1], [0], [0], [0, 0, 1, 0], [], []>, transpose_lhs_hint = false} : vector<512x32xf32>, vector<128x32xf32>, vector<512x128xf32> -> vector<512x128xf32>
    %gt3A_439 = arith.cmpf ogt, %dot_general3A_438, %max3A_433 : vector<512x128xf32>
    %jit3A_440 = arith.constant 4.200000e+01 : f32
    %broadcast_in_dim3A_441 = vector.broadcast %jit3A_440 : f32 to vector<512x128xf32>
    %select_n3A_442 = arith.select %gt3A_439, %broadcast_in_dim3A_441, %select_n3A_432 : vector<512x128xi1>, vector<512x128xf32>
    %max3A_443 = arith.maximumf %dot_general3A_438, %max3A_433 : vector<512x128xf32>
    %get3A_444 = arith.constant 5504 : index
    %get3A_445 = arith.constant 0 : index
    %get3A_446 = vector.load %arg5[%get3A_444, %get3A_445] : memref<8192x32xf32, #tpu.memory_space<vmem>>, vector<128x32xf32>
    %dot_general3A_447 = arith.constant dense<0.000000e+00> : vector<512x128xf32>
    %dot_general3A_448 = tpu.matmul %div3A_13, %get3A_446, %dot_general3A_447 {dimension_numbers = #tpu.dot_dimension_numbers<[1], [1], [0], [0], [0, 0, 1, 0], [], []>, transpose_lhs_hint = false} : vector<512x32xf32>, vector<128x32xf32>, vector<512x128xf32> -> vector<512x128xf32>
    %gt3A_449 = arith.cmpf ogt, %dot_general3A_448, %max3A_443 : vector<512x128xf32>
    %jit3A_450 = arith.constant 4.300000e+01 : f32
    %broadcast_in_dim3A_451 = vector.broadcast %jit3A_450 : f32 to vector<512x128xf32>
    %select_n3A_452 = arith.select %gt3A_449, %broadcast_in_dim3A_451, %select_n3A_442 : vector<512x128xi1>, vector<512x128xf32>
    %max3A_453 = arith.maximumf %dot_general3A_448, %max3A_443 : vector<512x128xf32>
    %get3A_454 = arith.constant 5632 : index
    %get3A_455 = arith.constant 0 : index
    %get3A_456 = vector.load %arg5[%get3A_454, %get3A_455] : memref<8192x32xf32, #tpu.memory_space<vmem>>, vector<128x32xf32>
    %dot_general3A_457 = arith.constant dense<0.000000e+00> : vector<512x128xf32>
    %dot_general3A_458 = tpu.matmul %div3A_13, %get3A_456, %dot_general3A_457 {dimension_numbers = #tpu.dot_dimension_numbers<[1], [1], [0], [0], [0, 0, 1, 0], [], []>, transpose_lhs_hint = false} : vector<512x32xf32>, vector<128x32xf32>, vector<512x128xf32> -> vector<512x128xf32>
    %gt3A_459 = arith.cmpf ogt, %dot_general3A_458, %max3A_453 : vector<512x128xf32>
    %jit3A_460 = arith.constant 4.400000e+01 : f32
    %broadcast_in_dim3A_461 = vector.broadcast %jit3A_460 : f32 to vector<512x128xf32>
    %select_n3A_462 = arith.select %gt3A_459, %broadcast_in_dim3A_461, %select_n3A_452 : vector<512x128xi1>, vector<512x128xf32>
    %max3A_463 = arith.maximumf %dot_general3A_458, %max3A_453 : vector<512x128xf32>
    %get3A_464 = arith.constant 5760 : index
    %get3A_465 = arith.constant 0 : index
    %get3A_466 = vector.load %arg5[%get3A_464, %get3A_465] : memref<8192x32xf32, #tpu.memory_space<vmem>>, vector<128x32xf32>
    %dot_general3A_467 = arith.constant dense<0.000000e+00> : vector<512x128xf32>
    %dot_general3A_468 = tpu.matmul %div3A_13, %get3A_466, %dot_general3A_467 {dimension_numbers = #tpu.dot_dimension_numbers<[1], [1], [0], [0], [0, 0, 1, 0], [], []>, transpose_lhs_hint = false} : vector<512x32xf32>, vector<128x32xf32>, vector<512x128xf32> -> vector<512x128xf32>
    %gt3A_469 = arith.cmpf ogt, %dot_general3A_468, %max3A_463 : vector<512x128xf32>
    %jit3A_470 = arith.constant 4.500000e+01 : f32
    %broadcast_in_dim3A_471 = vector.broadcast %jit3A_470 : f32 to vector<512x128xf32>
    %select_n3A_472 = arith.select %gt3A_469, %broadcast_in_dim3A_471, %select_n3A_462 : vector<512x128xi1>, vector<512x128xf32>
    %max3A_473 = arith.maximumf %dot_general3A_468, %max3A_463 : vector<512x128xf32>
    %get3A_474 = arith.constant 5888 : index
    %get3A_475 = arith.constant 0 : index
    %get3A_476 = vector.load %arg5[%get3A_474, %get3A_475] : memref<8192x32xf32, #tpu.memory_space<vmem>>, vector<128x32xf32>
    %dot_general3A_477 = arith.constant dense<0.000000e+00> : vector<512x128xf32>
    %dot_general3A_478 = tpu.matmul %div3A_13, %get3A_476, %dot_general3A_477 {dimension_numbers = #tpu.dot_dimension_numbers<[1], [1], [0], [0], [0, 0, 1, 0], [], []>, transpose_lhs_hint = false} : vector<512x32xf32>, vector<128x32xf32>, vector<512x128xf32> -> vector<512x128xf32>
    %gt3A_479 = arith.cmpf ogt, %dot_general3A_478, %max3A_473 : vector<512x128xf32>
    %jit3A_480 = arith.constant 4.600000e+01 : f32
    %broadcast_in_dim3A_481 = vector.broadcast %jit3A_480 : f32 to vector<512x128xf32>
    %select_n3A_482 = arith.select %gt3A_479, %broadcast_in_dim3A_481, %select_n3A_472 : vector<512x128xi1>, vector<512x128xf32>
    %max3A_483 = arith.maximumf %dot_general3A_478, %max3A_473 : vector<512x128xf32>
    %get3A_484 = arith.constant 6016 : index
    %get3A_485 = arith.constant 0 : index
    %get3A_486 = vector.load %arg5[%get3A_484, %get3A_485] : memref<8192x32xf32, #tpu.memory_space<vmem>>, vector<128x32xf32>
    %dot_general3A_487 = arith.constant dense<0.000000e+00> : vector<512x128xf32>
    %dot_general3A_488 = tpu.matmul %div3A_13, %get3A_486, %dot_general3A_487 {dimension_numbers = #tpu.dot_dimension_numbers<[1], [1], [0], [0], [0, 0, 1, 0], [], []>, transpose_lhs_hint = false} : vector<512x32xf32>, vector<128x32xf32>, vector<512x128xf32> -> vector<512x128xf32>
    %gt3A_489 = arith.cmpf ogt, %dot_general3A_488, %max3A_483 : vector<512x128xf32>
    %jit3A_490 = arith.constant 4.700000e+01 : f32
    %broadcast_in_dim3A_491 = vector.broadcast %jit3A_490 : f32 to vector<512x128xf32>
    %select_n3A_492 = arith.select %gt3A_489, %broadcast_in_dim3A_491, %select_n3A_482 : vector<512x128xi1>, vector<512x128xf32>
    %max3A_493 = arith.maximumf %dot_general3A_488, %max3A_483 : vector<512x128xf32>
    %get3A_494 = arith.constant 6144 : index
    %get3A_495 = arith.constant 0 : index
    %get3A_496 = vector.load %arg5[%get3A_494, %get3A_495] : memref<8192x32xf32, #tpu.memory_space<vmem>>, vector<128x32xf32>
    %dot_general3A_497 = arith.constant dense<0.000000e+00> : vector<512x128xf32>
    %dot_general3A_498 = tpu.matmul %div3A_13, %get3A_496, %dot_general3A_497 {dimension_numbers = #tpu.dot_dimension_numbers<[1], [1], [0], [0], [0, 0, 1, 0], [], []>, transpose_lhs_hint = false} : vector<512x32xf32>, vector<128x32xf32>, vector<512x128xf32> -> vector<512x128xf32>
    %gt3A_499 = arith.cmpf ogt, %dot_general3A_498, %max3A_493 : vector<512x128xf32>
    %jit3A_500 = arith.constant 4.800000e+01 : f32
    %broadcast_in_dim3A_501 = vector.broadcast %jit3A_500 : f32 to vector<512x128xf32>
    %select_n3A_502 = arith.select %gt3A_499, %broadcast_in_dim3A_501, %select_n3A_492 : vector<512x128xi1>, vector<512x128xf32>
    %max3A_503 = arith.maximumf %dot_general3A_498, %max3A_493 : vector<512x128xf32>
    %get3A_504 = arith.constant 6272 : index
    %get3A_505 = arith.constant 0 : index
    %get3A_506 = vector.load %arg5[%get3A_504, %get3A_505] : memref<8192x32xf32, #tpu.memory_space<vmem>>, vector<128x32xf32>
    %dot_general3A_507 = arith.constant dense<0.000000e+00> : vector<512x128xf32>
    %dot_general3A_508 = tpu.matmul %div3A_13, %get3A_506, %dot_general3A_507 {dimension_numbers = #tpu.dot_dimension_numbers<[1], [1], [0], [0], [0, 0, 1, 0], [], []>, transpose_lhs_hint = false} : vector<512x32xf32>, vector<128x32xf32>, vector<512x128xf32> -> vector<512x128xf32>
    %gt3A_509 = arith.cmpf ogt, %dot_general3A_508, %max3A_503 : vector<512x128xf32>
    %jit3A_510 = arith.constant 4.900000e+01 : f32
    %broadcast_in_dim3A_511 = vector.broadcast %jit3A_510 : f32 to vector<512x128xf32>
    %select_n3A_512 = arith.select %gt3A_509, %broadcast_in_dim3A_511, %select_n3A_502 : vector<512x128xi1>, vector<512x128xf32>
    %max3A_513 = arith.maximumf %dot_general3A_508, %max3A_503 : vector<512x128xf32>
    %get3A_514 = arith.constant 6400 : index
    %get3A_515 = arith.constant 0 : index
    %get3A_516 = vector.load %arg5[%get3A_514, %get3A_515] : memref<8192x32xf32, #tpu.memory_space<vmem>>, vector<128x32xf32>
    %dot_general3A_517 = arith.constant dense<0.000000e+00> : vector<512x128xf32>
    %dot_general3A_518 = tpu.matmul %div3A_13, %get3A_516, %dot_general3A_517 {dimension_numbers = #tpu.dot_dimension_numbers<[1], [1], [0], [0], [0, 0, 1, 0], [], []>, transpose_lhs_hint = false} : vector<512x32xf32>, vector<128x32xf32>, vector<512x128xf32> -> vector<512x128xf32>
    %gt3A_519 = arith.cmpf ogt, %dot_general3A_518, %max3A_513 : vector<512x128xf32>
    %jit3A_520 = arith.constant 5.000000e+01 : f32
    %broadcast_in_dim3A_521 = vector.broadcast %jit3A_520 : f32 to vector<512x128xf32>
    %select_n3A_522 = arith.select %gt3A_519, %broadcast_in_dim3A_521, %select_n3A_512 : vector<512x128xi1>, vector<512x128xf32>
    %max3A_523 = arith.maximumf %dot_general3A_518, %max3A_513 : vector<512x128xf32>
    %get3A_524 = arith.constant 6528 : index
    %get3A_525 = arith.constant 0 : index
    %get3A_526 = vector.load %arg5[%get3A_524, %get3A_525] : memref<8192x32xf32, #tpu.memory_space<vmem>>, vector<128x32xf32>
    %dot_general3A_527 = arith.constant dense<0.000000e+00> : vector<512x128xf32>
    %dot_general3A_528 = tpu.matmul %div3A_13, %get3A_526, %dot_general3A_527 {dimension_numbers = #tpu.dot_dimension_numbers<[1], [1], [0], [0], [0, 0, 1, 0], [], []>, transpose_lhs_hint = false} : vector<512x32xf32>, vector<128x32xf32>, vector<512x128xf32> -> vector<512x128xf32>
    %gt3A_529 = arith.cmpf ogt, %dot_general3A_528, %max3A_523 : vector<512x128xf32>
    %jit3A_530 = arith.constant 5.100000e+01 : f32
    %broadcast_in_dim3A_531 = vector.broadcast %jit3A_530 : f32 to vector<512x128xf32>
    %select_n3A_532 = arith.select %gt3A_529, %broadcast_in_dim3A_531, %select_n3A_522 : vector<512x128xi1>, vector<512x128xf32>
    %max3A_533 = arith.maximumf %dot_general3A_528, %max3A_523 : vector<512x128xf32>
    %get3A_534 = arith.constant 6656 : index
    %get3A_535 = arith.constant 0 : index
    %get3A_536 = vector.load %arg5[%get3A_534, %get3A_535] : memref<8192x32xf32, #tpu.memory_space<vmem>>, vector<128x32xf32>
    %dot_general3A_537 = arith.constant dense<0.000000e+00> : vector<512x128xf32>
    %dot_general3A_538 = tpu.matmul %div3A_13, %get3A_536, %dot_general3A_537 {dimension_numbers = #tpu.dot_dimension_numbers<[1], [1], [0], [0], [0, 0, 1, 0], [], []>, transpose_lhs_hint = false} : vector<512x32xf32>, vector<128x32xf32>, vector<512x128xf32> -> vector<512x128xf32>
    %gt3A_539 = arith.cmpf ogt, %dot_general3A_538, %max3A_533 : vector<512x128xf32>
    %jit3A_540 = arith.constant 5.200000e+01 : f32
    %broadcast_in_dim3A_541 = vector.broadcast %jit3A_540 : f32 to vector<512x128xf32>
    %select_n3A_542 = arith.select %gt3A_539, %broadcast_in_dim3A_541, %select_n3A_532 : vector<512x128xi1>, vector<512x128xf32>
    %max3A_543 = arith.maximumf %dot_general3A_538, %max3A_533 : vector<512x128xf32>
    %get3A_544 = arith.constant 6784 : index
    %get3A_545 = arith.constant 0 : index
    %get3A_546 = vector.load %arg5[%get3A_544, %get3A_545] : memref<8192x32xf32, #tpu.memory_space<vmem>>, vector<128x32xf32>
    %dot_general3A_547 = arith.constant dense<0.000000e+00> : vector<512x128xf32>
    %dot_general3A_548 = tpu.matmul %div3A_13, %get3A_546, %dot_general3A_547 {dimension_numbers = #tpu.dot_dimension_numbers<[1], [1], [0], [0], [0, 0, 1, 0], [], []>, transpose_lhs_hint = false} : vector<512x32xf32>, vector<128x32xf32>, vector<512x128xf32> -> vector<512x128xf32>
    %gt3A_549 = arith.cmpf ogt, %dot_general3A_548, %max3A_543 : vector<512x128xf32>
    %jit3A_550 = arith.constant 5.300000e+01 : f32
    %broadcast_in_dim3A_551 = vector.broadcast %jit3A_550 : f32 to vector<512x128xf32>
    %select_n3A_552 = arith.select %gt3A_549, %broadcast_in_dim3A_551, %select_n3A_542 : vector<512x128xi1>, vector<512x128xf32>
    %max3A_553 = arith.maximumf %dot_general3A_548, %max3A_543 : vector<512x128xf32>
    %get3A_554 = arith.constant 6912 : index
    %get3A_555 = arith.constant 0 : index
    %get3A_556 = vector.load %arg5[%get3A_554, %get3A_555] : memref<8192x32xf32, #tpu.memory_space<vmem>>, vector<128x32xf32>
    %dot_general3A_557 = arith.constant dense<0.000000e+00> : vector<512x128xf32>
    %dot_general3A_558 = tpu.matmul %div3A_13, %get3A_556, %dot_general3A_557 {dimension_numbers = #tpu.dot_dimension_numbers<[1], [1], [0], [0], [0, 0, 1, 0], [], []>, transpose_lhs_hint = false} : vector<512x32xf32>, vector<128x32xf32>, vector<512x128xf32> -> vector<512x128xf32>
    %gt3A_559 = arith.cmpf ogt, %dot_general3A_558, %max3A_553 : vector<512x128xf32>
    %jit3A_560 = arith.constant 5.400000e+01 : f32
    %broadcast_in_dim3A_561 = vector.broadcast %jit3A_560 : f32 to vector<512x128xf32>
    %select_n3A_562 = arith.select %gt3A_559, %broadcast_in_dim3A_561, %select_n3A_552 : vector<512x128xi1>, vector<512x128xf32>
    %max3A_563 = arith.maximumf %dot_general3A_558, %max3A_553 : vector<512x128xf32>
    %get3A_564 = arith.constant 7040 : index
    %get3A_565 = arith.constant 0 : index
    %get3A_566 = vector.load %arg5[%get3A_564, %get3A_565] : memref<8192x32xf32, #tpu.memory_space<vmem>>, vector<128x32xf32>
    %dot_general3A_567 = arith.constant dense<0.000000e+00> : vector<512x128xf32>
    %dot_general3A_568 = tpu.matmul %div3A_13, %get3A_566, %dot_general3A_567 {dimension_numbers = #tpu.dot_dimension_numbers<[1], [1], [0], [0], [0, 0, 1, 0], [], []>, transpose_lhs_hint = false} : vector<512x32xf32>, vector<128x32xf32>, vector<512x128xf32> -> vector<512x128xf32>
    %gt3A_569 = arith.cmpf ogt, %dot_general3A_568, %max3A_563 : vector<512x128xf32>
    %jit3A_570 = arith.constant 5.500000e+01 : f32
    %broadcast_in_dim3A_571 = vector.broadcast %jit3A_570 : f32 to vector<512x128xf32>
    %select_n3A_572 = arith.select %gt3A_569, %broadcast_in_dim3A_571, %select_n3A_562 : vector<512x128xi1>, vector<512x128xf32>
    %max3A_573 = arith.maximumf %dot_general3A_568, %max3A_563 : vector<512x128xf32>
    %get3A_574 = arith.constant 7168 : index
    %get3A_575 = arith.constant 0 : index
    %get3A_576 = vector.load %arg5[%get3A_574, %get3A_575] : memref<8192x32xf32, #tpu.memory_space<vmem>>, vector<128x32xf32>
    %dot_general3A_577 = arith.constant dense<0.000000e+00> : vector<512x128xf32>
    %dot_general3A_578 = tpu.matmul %div3A_13, %get3A_576, %dot_general3A_577 {dimension_numbers = #tpu.dot_dimension_numbers<[1], [1], [0], [0], [0, 0, 1, 0], [], []>, transpose_lhs_hint = false} : vector<512x32xf32>, vector<128x32xf32>, vector<512x128xf32> -> vector<512x128xf32>
    %gt3A_579 = arith.cmpf ogt, %dot_general3A_578, %max3A_573 : vector<512x128xf32>
    %jit3A_580 = arith.constant 5.600000e+01 : f32
    %broadcast_in_dim3A_581 = vector.broadcast %jit3A_580 : f32 to vector<512x128xf32>
    %select_n3A_582 = arith.select %gt3A_579, %broadcast_in_dim3A_581, %select_n3A_572 : vector<512x128xi1>, vector<512x128xf32>
    %max3A_583 = arith.maximumf %dot_general3A_578, %max3A_573 : vector<512x128xf32>
    %get3A_584 = arith.constant 7296 : index
    %get3A_585 = arith.constant 0 : index
    %get3A_586 = vector.load %arg5[%get3A_584, %get3A_585] : memref<8192x32xf32, #tpu.memory_space<vmem>>, vector<128x32xf32>
    %dot_general3A_587 = arith.constant dense<0.000000e+00> : vector<512x128xf32>
    %dot_general3A_588 = tpu.matmul %div3A_13, %get3A_586, %dot_general3A_587 {dimension_numbers = #tpu.dot_dimension_numbers<[1], [1], [0], [0], [0, 0, 1, 0], [], []>, transpose_lhs_hint = false} : vector<512x32xf32>, vector<128x32xf32>, vector<512x128xf32> -> vector<512x128xf32>
    %gt3A_589 = arith.cmpf ogt, %dot_general3A_588, %max3A_583 : vector<512x128xf32>
    %jit3A_590 = arith.constant 5.700000e+01 : f32
    %broadcast_in_dim3A_591 = vector.broadcast %jit3A_590 : f32 to vector<512x128xf32>
    %select_n3A_592 = arith.select %gt3A_589, %broadcast_in_dim3A_591, %select_n3A_582 : vector<512x128xi1>, vector<512x128xf32>
    %max3A_593 = arith.maximumf %dot_general3A_588, %max3A_583 : vector<512x128xf32>
    %get3A_594 = arith.constant 7424 : index
    %get3A_595 = arith.constant 0 : index
    %get3A_596 = vector.load %arg5[%get3A_594, %get3A_595] : memref<8192x32xf32, #tpu.memory_space<vmem>>, vector<128x32xf32>
    %dot_general3A_597 = arith.constant dense<0.000000e+00> : vector<512x128xf32>
    %dot_general3A_598 = tpu.matmul %div3A_13, %get3A_596, %dot_general3A_597 {dimension_numbers = #tpu.dot_dimension_numbers<[1], [1], [0], [0], [0, 0, 1, 0], [], []>, transpose_lhs_hint = false} : vector<512x32xf32>, vector<128x32xf32>, vector<512x128xf32> -> vector<512x128xf32>
    %gt3A_599 = arith.cmpf ogt, %dot_general3A_598, %max3A_593 : vector<512x128xf32>
    %jit3A_600 = arith.constant 5.800000e+01 : f32
    %broadcast_in_dim3A_601 = vector.broadcast %jit3A_600 : f32 to vector<512x128xf32>
    %select_n3A_602 = arith.select %gt3A_599, %broadcast_in_dim3A_601, %select_n3A_592 : vector<512x128xi1>, vector<512x128xf32>
    %max3A_603 = arith.maximumf %dot_general3A_598, %max3A_593 : vector<512x128xf32>
    %get3A_604 = arith.constant 7552 : index
    %get3A_605 = arith.constant 0 : index
    %get3A_606 = vector.load %arg5[%get3A_604, %get3A_605] : memref<8192x32xf32, #tpu.memory_space<vmem>>, vector<128x32xf32>
    %dot_general3A_607 = arith.constant dense<0.000000e+00> : vector<512x128xf32>
    %dot_general3A_608 = tpu.matmul %div3A_13, %get3A_606, %dot_general3A_607 {dimension_numbers = #tpu.dot_dimension_numbers<[1], [1], [0], [0], [0, 0, 1, 0], [], []>, transpose_lhs_hint = false} : vector<512x32xf32>, vector<128x32xf32>, vector<512x128xf32> -> vector<512x128xf32>
    %gt3A_609 = arith.cmpf ogt, %dot_general3A_608, %max3A_603 : vector<512x128xf32>
    %jit3A_610 = arith.constant 5.900000e+01 : f32
    %broadcast_in_dim3A_611 = vector.broadcast %jit3A_610 : f32 to vector<512x128xf32>
    %select_n3A_612 = arith.select %gt3A_609, %broadcast_in_dim3A_611, %select_n3A_602 : vector<512x128xi1>, vector<512x128xf32>
    %max3A_613 = arith.maximumf %dot_general3A_608, %max3A_603 : vector<512x128xf32>
    %get3A_614 = arith.constant 7680 : index
    %get3A_615 = arith.constant 0 : index
    %get3A_616 = vector.load %arg5[%get3A_614, %get3A_615] : memref<8192x32xf32, #tpu.memory_space<vmem>>, vector<128x32xf32>
    %dot_general3A_617 = arith.constant dense<0.000000e+00> : vector<512x128xf32>
    %dot_general3A_618 = tpu.matmul %div3A_13, %get3A_616, %dot_general3A_617 {dimension_numbers = #tpu.dot_dimension_numbers<[1], [1], [0], [0], [0, 0, 1, 0], [], []>, transpose_lhs_hint = false} : vector<512x32xf32>, vector<128x32xf32>, vector<512x128xf32> -> vector<512x128xf32>
    %gt3A_619 = arith.cmpf ogt, %dot_general3A_618, %max3A_613 : vector<512x128xf32>
    %jit3A_620 = arith.constant 6.000000e+01 : f32
    %broadcast_in_dim3A_621 = vector.broadcast %jit3A_620 : f32 to vector<512x128xf32>
    %select_n3A_622 = arith.select %gt3A_619, %broadcast_in_dim3A_621, %select_n3A_612 : vector<512x128xi1>, vector<512x128xf32>
    %max3A_623 = arith.maximumf %dot_general3A_618, %max3A_613 : vector<512x128xf32>
    %get3A_624 = arith.constant 7808 : index
    %get3A_625 = arith.constant 0 : index
    %get3A_626 = vector.load %arg5[%get3A_624, %get3A_625] : memref<8192x32xf32, #tpu.memory_space<vmem>>, vector<128x32xf32>
    %dot_general3A_627 = arith.constant dense<0.000000e+00> : vector<512x128xf32>
    %dot_general3A_628 = tpu.matmul %div3A_13, %get3A_626, %dot_general3A_627 {dimension_numbers = #tpu.dot_dimension_numbers<[1], [1], [0], [0], [0, 0, 1, 0], [], []>, transpose_lhs_hint = false} : vector<512x32xf32>, vector<128x32xf32>, vector<512x128xf32> -> vector<512x128xf32>
    %gt3A_629 = arith.cmpf ogt, %dot_general3A_628, %max3A_623 : vector<512x128xf32>
    %jit3A_630 = arith.constant 6.100000e+01 : f32
    %broadcast_in_dim3A_631 = vector.broadcast %jit3A_630 : f32 to vector<512x128xf32>
    %select_n3A_632 = arith.select %gt3A_629, %broadcast_in_dim3A_631, %select_n3A_622 : vector<512x128xi1>, vector<512x128xf32>
    %max3A_633 = arith.maximumf %dot_general3A_628, %max3A_623 : vector<512x128xf32>
    %get3A_634 = arith.constant 7936 : index
    %get3A_635 = arith.constant 0 : index
    %get3A_636 = vector.load %arg5[%get3A_634, %get3A_635] : memref<8192x32xf32, #tpu.memory_space<vmem>>, vector<128x32xf32>
    %dot_general3A_637 = arith.constant dense<0.000000e+00> : vector<512x128xf32>
    %dot_general3A_638 = tpu.matmul %div3A_13, %get3A_636, %dot_general3A_637 {dimension_numbers = #tpu.dot_dimension_numbers<[1], [1], [0], [0], [0, 0, 1, 0], [], []>, transpose_lhs_hint = false} : vector<512x32xf32>, vector<128x32xf32>, vector<512x128xf32> -> vector<512x128xf32>
    %gt3A_639 = arith.cmpf ogt, %dot_general3A_638, %max3A_633 : vector<512x128xf32>
    %jit3A_640 = arith.constant 6.200000e+01 : f32
    %broadcast_in_dim3A_641 = vector.broadcast %jit3A_640 : f32 to vector<512x128xf32>
    %select_n3A_642 = arith.select %gt3A_639, %broadcast_in_dim3A_641, %select_n3A_632 : vector<512x128xi1>, vector<512x128xf32>
    %max3A_643 = arith.maximumf %dot_general3A_638, %max3A_633 : vector<512x128xf32>
    %get3A_644 = arith.constant 8064 : index
    %get3A_645 = arith.constant 0 : index
    %get3A_646 = vector.load %arg5[%get3A_644, %get3A_645] : memref<8192x32xf32, #tpu.memory_space<vmem>>, vector<128x32xf32>
    %dot_general3A_647 = arith.constant dense<0.000000e+00> : vector<512x128xf32>
    %dot_general3A_648 = tpu.matmul %div3A_13, %get3A_646, %dot_general3A_647 {dimension_numbers = #tpu.dot_dimension_numbers<[1], [1], [0], [0], [0, 0, 1, 0], [], []>, transpose_lhs_hint = false} : vector<512x32xf32>, vector<128x32xf32>, vector<512x128xf32> -> vector<512x128xf32>
    %gt3A_649 = arith.cmpf ogt, %dot_general3A_648, %max3A_643 : vector<512x128xf32>
    %jit3A_650 = arith.constant 6.300000e+01 : f32
    %broadcast_in_dim3A_651 = vector.broadcast %jit3A_650 : f32 to vector<512x128xf32>
    %select_n3A_652 = arith.select %gt3A_649, %broadcast_in_dim3A_651, %select_n3A_642 : vector<512x128xi1>, vector<512x128xf32>
    %max3A_653 = arith.maximumf %dot_general3A_648, %max3A_643 : vector<512x128xf32>
    %reduce_max3A = arith.constant dense<0xFF800000> : vector<512xf32>
    %reduce_max3A_654 = vector.multi_reduction <maximumf>, %max3A_653, %reduce_max3A [1] : vector<512x128xf32> to vector<512xf32>
    %broadcast_in_dim3A_655 = vector.shape_cast %reduce_max3A_654 : vector<512xf32> to vector<512x1xf32>
    %iota3A = tpu.iota {dimensions = array<i32: 1>} : vector<512x128xi32>
    %convert_element_type3A_656 = arith.sitofp %iota3A : vector<512x128xi32> to vector<512x128xf32>
    %mul3A_657 = arith.constant 1.280000e+02 : f32
    %mul3A_658 = vector.broadcast %mul3A_657 : f32 to vector<512x128xf32>
    %mul3A_659 = arith.mulf %select_n3A_652, %mul3A_658 : vector<512x128xf32>
    %add3A = arith.addf %mul3A_659, %convert_element_type3A_656 : vector<512x128xf32>
    %eq3A_660 = vector.broadcast %broadcast_in_dim3A_655 : vector<512x1xf32> to vector<512x128xf32>
    %eq3A_661 = arith.cmpf oeq, %max3A_653, %eq3A_660 : vector<512x128xf32>
    %jit3A_662 = arith.constant 8.192000e+03 : f32
    %broadcast_in_dim3A_663 = vector.broadcast %jit3A_662 : f32 to vector<512x128xf32>
    %select_n3A_664 = arith.select %eq3A_661, %add3A, %broadcast_in_dim3A_663 : vector<512x128xi1>, vector<512x128xf32>
    %reduce_min3A = arith.constant dense<0x7F800000> : vector<512xf32>
    %reduce_min3A_665 = vector.multi_reduction <minimumf>, %select_n3A_664, %reduce_min3A [1] : vector<512x128xf32> to vector<512xf32>
    %convert_element_type3A_666 = arith.fptosi %reduce_min3A_665 : vector<512xf32> to vector<512xi32>
    %reshape3A = vector.shape_cast %convert_element_type3A_666 : vector<512xi32> to vector<4x128xi32>
    %swap3A_667 = arith.constant 0 : index
    %swap3A_668 = arith.constant 0 : index
    %swap3A_669 = arith.constant 0 : index
    %swap3A_670 = vector.load %arg3[%swap3A_667, %swap3A_668, %swap3A_669] : memref<1x4x128xi32, #tpu.memory_space<vmem>>, vector<1x4x128xi32>
    %swap3A_671 = vector.shape_cast %swap3A_670 : vector<1x4x128xi32> to vector<4x128xi32>
    %swap3A_672 = vector.shape_cast %reshape3A : vector<4x128xi32> to vector<1x4x128xi32>
    tpu.vector_store %arg3[%swap3A_667, %swap3A_668, %swap3A_669], %swap3A_672 {strides = array<i32>} : memref<1x4x128xi32, #tpu.memory_space<vmem>>, vector<1x4x128xi32>,
    return
  }
  func.func @transform_0(%arg0: i32) -> (i32, i32) {
    %c0_i32 = arith.constant 0 : i32
    %c0_i32_0 = arith.constant 0 : i32
    return %arg0, %c0_i32 : i32, i32
  }
  func.func @transform_1(%arg0: i32) -> (i32, i32) {
    %c0_i32 = arith.constant 0 : i32
    %c0_i32_0 = arith.constant 0 : i32
    %c0_i32_1 = arith.constant 0 : i32
    return %c0_i32, %c0_i32_0 : i32, i32
  }
  func.func @transform_2(%arg0: i32) -> (i32, i32, i32) {
    %c0_i32 = arith.constant 0 : i32
    %c0_i32_0 = arith.constant 0 : i32
    %c0_i32_1 = arith.constant 0 : i32
    return %arg0, %c0_i32, %c0_i32_0 : i32, i32, i32
  }
  func.func @transform_3(%arg0: i32) -> (i32, i32) {
    %c0_i32 = arith.constant 0 : i32
    %c0_i32_0 = arith.constant 0 : i32
    return %arg0, %c0_i32 : i32, i32
  }
}

</mosaic_0001>

<sc_bundles>
// kernel: kernel.5.cloned.1.call-start
scs
__scs_entry_jumppad:
0x0: {  	(pc) =	sbr.rel $0x88, $3  }
0x1: {  	(tag) =	ssettag $0x0;
	lr =	simm.s32 $0x1  }
0x2: {  	[smem:$0x3F9F] =	sst lr;
	_ =	strace $0xD0000000  }
0x3: {  	_ = 	snop  }
0x4: {  	_ = 	snop  }
0x5: {  	_ = 	snop  }
0x6: {  	_ = 	snop  }
0x7: {  	_ = 	snop  }
__scs_overlays_trampoline_lowered:
0x8: {  	[smem:$0x3FAE] =	sst s0  }
0x9: {  	[smem:$0x3FAF] =	sst s1  }
0xa: {  	[smem:$0x3FB0] =	sst s2  }
0xb: {  	[smem:$0x3FB1] =	sst s3  }
0xc: {  	[smem:$0x3FB2] =	sst s4  }
0xd: {  	[smem:$0x3FB3] =	sst s5  }
0xe: {  	[smem:$0x3FB4] =	sst s6  }
0xf: {  	[smem:$0x3FB5] =	sst s7  }
0x10: {  	[smem:$0x3FB6] =	sst s8  }
0x11: {  	[smem:$0x3FB7] =	sst s9;
	s0 =	simm.s32 @!p0 $0x0  }
0x12: {  	s1 =	sld [smem:$0x3F9D];
	s0 =	simm.s32 @p0 $0x1  }
0x13: {  	[smem:$0x3FB8] =	sst s0;
	s0 =	simm.s32 @!p1 $0x0  }
0x14: {  	s2 =	sld [smem:$0x3F9C];
	s0 =	simm.s32 @p1 $0x1  }
0x15: {  	[smem:$0x3FB9] =	sst s0;
	s0 =	simm.s32 @!p2 $0x0  }
0x16: {  	s3 =	sld [smem:$0x3FDB];
	s0 =	simm.s32 @p2 $0x1  }
0x17: {  	s4 =	simm.s32 $0x1BF5;
	[smem:$0x3FBB] =	sst s0  }
0x18: {  	s0 =	sld [smem:$0x3F9E];
	_ =	swait.ge [sflag:s4], $0x0  }
0x19: {  	s7 =	sld [smem:$0x3F9F]  }
0x1a: {  	s8 =	sadd.s32 $0xFFFFE003, lr  }
0x1b: {  	s9 =	sadd.s32 $0xFFFFFEF7, lr;
	s5 =	simm.s32 $0xFFFFFFFF;
	p2 =	slt.u32 s8, $0xFFFFF086  }
0x1c: {  	p1 =	slt.u32 s9, $0xF7A;
	s5 =	simm.s32 @!p2 $0x0  }
0x1d: {  	s5 =	simm.s32 @p1 $0x1;
	p0 =	seq.s32 s7, s2  }
0x1e: {  	s7 =	smul.u32 @!p0 $0xF7A, s2;
	p2 =	seq.s32 @!p0 s5, $0x0  }
0x1f: {  	s9 =	smul.u32 $0xF7A, s1;
	s8 =	simm.s32 @!p0 $0x1BF5;
	p2 =	por !p2, p0  }
0x20: {  	[sflag:s8] =	ssyncset.s32 @!p0 $0xFFFFF086;
	s6 =	sadd.s32 @!p0 s3, s7;
	s7 =	simm.s32 @!p0 $0x108  }
0x21: {  	s3 =	sadd.s32 s3, s9;
	s6 =	sadd.s32 @!p0 $0x88, s6;
	s7 =	simm.s32 @p2 $0x1082  }
0x22: {  	[simem:s7], [sflag:s8] =	dma.local @!p0 [hbm:s6], $0xF7A  }
0x23: {  	s9 =	sor.u32 $0xD0000000, s2;
	s6 =	simm.s32 $0x108;
	_ =	swait.ge @!p0 [sflag:s8], $0x0  }
0x24: {  	s3 =	sadd.s32 $0x88, s3;
	s6 =	simm.s32 @!p1 $0x1082;
	[sflag:s4] =	ssyncset.s32 $0xFFFFF086  }
0x25: {  	[simem:s6], [sflag:s4] =	dma.local [hbm:s3], $0xF7A  }
0x26: {  	[smem:$0x3F9F] =	sst s1;
	(tag) =	ssettag s2;
	_ =	strace s9  }
0x27: {  	s1 =	sld [smem:$0x3FAF]  }
0x28: {  	s2 =	sld [smem:$0x3FB0]  }
0x29: {  	s4 =	sld [smem:$0x3FB2]  }
0x2a: {  	p0 =	seq.s32 s5, $0x0;
	s5 =	sld [smem:$0x3FB3]  }
0x2b: {  	s6 =	sld [smem:$0x3FB4]  }
0x2c: {  	s7 =	sld [smem:$0x3FB5]  }
0x2d: {  	s3 =	simm.s32 $0x108;
	s8 =	sld [smem:$0x3FB6]  }
0x2e: {  	s3 =	simm.s32 @!p0 $0x1082;
	s9 =	sld [smem:$0x3FB7]  }
0x2f: {  	lr =	sadd.s32 s0, s3;
	s0 =	sld [smem:$0x3FAE]  }
0x30: {  	s3 =	sld [smem:$0x3FB1]  }
0x31: {  	[smem:$0x3FBA] =	sst s10  }
0x32: {  	s10 =	sld [smem:$0x3FB8];
	_ =	sdelay $0x3  }
0x33: {  	p0 =	seq.s32 s10, $0x1;
	s10 =	sld [smem:$0x3FBA];
	_ =	sdelay $0x3  }
0x34: {  	[smem:$0x3FBA] =	sst s10  }
0x35: {  	s10 =	sld [smem:$0x3FB9];
	_ =	sdelay $0x3  }
0x36: {  	p1 =	seq.s32 s10, $0x1;
	s10 =	sld [smem:$0x3FBA];
	_ =	sdelay $0x3  }
0x37: {  	[smem:$0x3FBA] =	sst s10  }
0x38: {  	s10 =	sld [smem:$0x3FBB]  }
0x39: {  	_ = 	snop;
	(pc) =	sbr.ind lr, $3  }
0x3a: {  	_ = 	snop  }
0x3b: {  	_ = 	snop  }
0x3c: {  	p2 =	seq.s32 s10, $0x1;
	s10 =	sld [smem:$0x3FBA]  }
0x3d: {  	_ =	shalt  }
0x3e: {  	_ =	shalt  }
0x3f: {  	_ =	shalt  }
0x40: {  	_ =	shalt  }
0x41: {  	_ =	shalt  }
0x42: {  	_ =	shalt  }
0x43: {  	_ =	shalt  }
0x44: {  	_ =	shalt  }
0x45: {  	_ =	shalt  }
0x46: {  	_ =	shalt  }
0x47: {  	_ =	shalt  }
0x48: {  	_ =	shalt  }
0x49: {  	_ =	shalt  }
0x4a: {  	_ =	shalt  }
0x4b: {  	_ =	shalt  }
0x4c: {  	_ =	shalt  }
0x4d: {  	_ =	shalt  }
0x4e: {  	_ =	shalt  }
0x4f: {  	_ =	shalt  }
0x50: {  	_ =	shalt  }
0x51: {  	_ =	shalt  }
0x52: {  	_ =	shalt  }
0x53: {  	_ =	shalt  }
0x54: {  	_ =	shalt  }
0x55: {  	_ =	shalt  }
0x56: {  	_ =	shalt  }
0x57: {  	_ =	shalt  }
0x58: {  	_ =	shalt  }
0x59: {  	_ =	shalt  }
0x5a: {  	_ =	shalt  }
0x5b: {  	_ =	shalt  }
0x5c: {  	_ =	shalt  }
0x5d: {  	_ =	shalt  }
0x5e: {  	_ =	shalt  }
0x5f: {  	_ =	shalt  }
0x60: {  	_ =	shalt  }
0x61: {  	_ =	shalt  }
0x62: {  	_ =	shalt  }
0x63: {  	_ =	shalt  }
0x64: {  	_ =	shalt  }
0x65: {  	_ =	shalt  }
0x66: {  	_ =	shalt  }
0x67: {  	_ =	shalt  }
0x68: {  	_ =	shalt  }
0x69: {  	_ =	shalt  }
0x6a: {  	_ =	shalt  }
0x6b: {  	_ =	shalt  }
0x6c: {  	_ =	shalt  }
0x6d: {  	_ =	shalt  }
0x6e: {  	_ =	shalt  }
0x6f: {  	_ =	shalt  }
0x70: {  	_ =	shalt  }
0x71: {  	_ =	shalt  }
0x72: {  	_ =	shalt  }
0x73: {  	_ =	shalt  }
0x74: {  	_ =	shalt  }
0x75: {  	_ =	shalt  }
0x76: {  	_ =	shalt  }
0x77: {  	_ =	shalt  }
0x78: {  	_ =	shalt  }
0x79: {  	_ =	shalt  }
0x7a: {  	_ =	shalt  }
0x7b: {  	_ =	shalt  }
0x7c: {  	_ =	shalt  }
0x7d: {  	_ =	shalt  }
0x7e: {  	_ =	shalt  }
0x7f: {  	_ =	shalt  }
0x80: {  	_ =	shalt  }
0x81: {  	_ =	shalt  }
0x82: {  	_ =	shalt  }
0x83: {  	_ =	shalt  }
0x84: {  	_ =	shalt  }
0x85: {  	_ =	shalt  }
0x86: {  	_ =	shalt  }
0x87: {  	_ =	shalt  }
.Lfunc_end0:
.L_simem_size_0:
called_computation_lowered:
.L_overlay_start_0:
0x88: {  	s2 =	sld [smem:$0x3FD9]  }
0x89: {  	s3 =	sld [smem:$0x3FFE];
	_ =	sdelay $0x1  }
0x8a: {  	s1 =	srdreg.scid  }
0x8b: {  	s0 =	sand.u32 $0x1, s1  }
0x8c: {  	s17 =	sshll.u32 s0, $0xA;
	s2 =	sadd.s32 s3, s2  }
0x8d: {  	s2 =	sadd.s32 s2, s17  }
0x8e: {  	[smem:$0x3FC6] =	sst s2  }
0x8f: {  	_ = 	snop  }
0x90: {  	s2 =	sld [smem:$0x3FD0];
	(tm) =	ssettm $0x1  }
0x91: {  	s18 =	sld [smem:$0x3FFB];
	_ =	sdelay $0x3  }
0x92: {  	_ =	strace s18  }
0x93: {  	s3 =	sld [smem:$0x3FFC];
	_ =	sdelay $0x3  }
0x94: {  	_ =	strace s3  }
0x95: {  	s3 =	sld [smem:$0x3FFD];
	_ =	sdelay $0x3  }
0x96: {  	_ =	strace s3  }
0x97: {  	_ =	strace $0x8FFFFFFF  }
0x98: {  	s19 =	sld [smem:$0x3FDB];
	_ =	sdelay $0x1  }
0x99: {  	s4 =	simm.s32 $_scs_section_size  }
0x9a: {  	s5 =	simm.s32 $_size__tile_overlayer_lowered;
	s6 =	simm.s32 $_tile_overlayer_lowered  }
0x9b: {  	s22 =	simm.s32 $0x1BFF;
	s21 =	sshll.u32 s6, $0x1;
	s3 =	sadd.s32 s4, s19  }
0x9c: {  	s7 =	simm.s32 $0x0;
	s20 =	sshll.u32 s5, $0x1;
	s5 =	sadd.s32 s21, s3  }
0x9d: {  	[timem:s7], [sflag:s22] =	dma.local [hbm:s5], s20  }
0x9e: {  	_ =	swait.ge [sflag:s22], s20  }
0x9f: {  	s4 =	ssub.s32 $0x0, s20;
	[sflag:s22] =	ssyncset.done $0x0  }
0xa0: {  	[sflag:s22] =	ssyncadd.s32 s4;
	_ =	sdelay $0x1  }
0xa1: {  	s23 =	simm.s32 $0x1B8B  }
0xa2: {  	_ =	swait.ge [sflag:s23], $0x1  }
0xa3: {  	[sflag:s23] =	ssyncset.done $0x0  }
0xa4: {  	s25 =	simm.s32 $0x1B8E;
	s24 =	sld [smem:$0x3FFE];
	[sflag:s23] =	ssyncadd.s32 $0xFFFFFFFF  }
0xa5: {  	s26 =	simm.s32 $execute0_lowered;
	[smem:$0x3FD2] =	sst s25  }
0xa6: {  	s5 =	sshll.u32 s26, $0x1;
	_ =	strace $0x80000046;
	[dreg:$0x1] =	wrdreg $0xFFFFFFFF  }
0xa7: {  	s28 =	simm.s32 $_size_execute0_lowered;
	s3 =	sadd.s32 s3, s5;
	[dreg:$0x0] =	wrdreg $0x0  }
0xa8: {  	s5 =	sshll.u32 s28, $0x1;
	[dreg:$0x2] =	wrdreg s3  }
0xa9: {  	[dreg:$0x3] =	wrdreg s5  }
0xaa: {  	[dreg:$0x4] =	wrdreg $0xC0  }
0xab: {  	_ =	task [dreg:s7], $0x5FFFF  }
0xac: {  	[dreg:$0x1] =	wrdreg $0xFFFFFFFF  }
0xad: {  	[dreg:$0x0] =	wrdreg $0x60  }
0xae: {  	[dreg:$0x2] =	wrdreg s24  }
0xaf: {  	[dreg:$0x3] =	wrdreg s2  }
0xb0: {  	[dreg:$0x4] =	wrdreg $0x82000  }
0xb1: {  	[dreg:$0x5] =	wrdreg $0x9  }
0xb2: {  	_ =	task.clear_ibuf [dreg:s7], $0x6FFFF;
	_ =	strace $0x90000046  }
0xb3: {  	s29 =	simm.s32 $0x9;
	_ =	strace $0x80000048  }
0xb4: {  	_ =	swait.ge [sflag:s29], $0x1  }
0xb5: {  	[sflag:s29] =	ssyncadd.s32 $0xFFFFFFFF  }
0xb6: {  	_ =	strace $0x90000048  }
0xb7: {  	_ =	sfence  }
0xb8: {  	s30 =	sld [smem:$0x0];
	_ =	sdelay $0x2  }
0xb9: {  	s31 =	sshll.u32 s1, $0xD;
	s1 =	sshrl.u32 s1, $0x2  }
0xba: {  	s3 =	sand.u32 $0x4000, s31;
	s1 =	sadd.s32 s1, s30  }
0xbb: {  	s0 =	sor.u32 s3, s0;
	s1 =	sshll.u32 s1, $0x11  }
0xbc: {  	s0 =	sor.u32 s1, s0  }
0xbd: {  	s0 =	sadd.s32 $0x8F2B, s0  }
0xbe: {  	[sflag:s0] =	ssyncadd.remote.s32 $0x1  }
0xbf: {  	_ =	sfence.sel $0xFFFF  }
0xc0: {  	[dreg:$0x0] =	wrdreg $0xFFFFFFFF;
	(pc) =	sbr.abs _section_cstart, $3  }
0xc1: {  	[dreg:$0x1] =	wrdreg $0xFFFFFFFF  }
0xc2: {  	_ =	task.clear_ibuf [dreg:s7], $0x2FFFF;
	_ =	strace $0x9FFFFFFF  }
0xc3: {  	(tm) =	ssettm $0x7FFFFFFF  }
tec
execute0_lowered:
.L_overlay_start_1:
0x0: {  	(tag) =	ssettag $0x1  }
0x1: {  	s4 =	rddreg [dreg:$0x0]  }
0x2: {  	s8 =	rddreg [dreg:$0x1]  }
0x3: {  	s2 =	rddreg [dreg:$0x2]  }
0x4: {  	s3 =	srdreg.scid;
	s0 =	rddreg [dreg:$0x3]  }
0x5: {  	s1 =	stileid.u32;
	s18 =	simm.s32 $0x200;
	s19 =	simm.s32 $0x3  }
0x6: {  	s20 =	simm.s32 $0x1;
	s21 =	simm.s32 $0x4200;
	s22 =	simm.s32 $0x80  }
0x7: {  	s23 =	simm.s32 $0x2;
	s24 =	simm.s32 $0x100;
	s25 =	simm.s32 $0x180  }
0x8: {  	s26 =	simm.s32 $0x0;
	s5 =	sand.u32 $0x1, s3;
	s3 =	simm.s32 $0x0  }
0x9: {  	s6 =	sshll.u32 s1, $0xA;
	s28 =	sshll.u32 s1, $0xD;
	s29 =	sshll.u32 s1, $0x10  }
0xa: {  	s7 =	sshll.u32 s5, $0x9;
	s9 =	sshll.u32 s5, $0x11;
	s5 =	ssub.s32 $0x2, s5  }
0xb: {  	[smem:$0x7FF] =	sst s3;
	s6 =	sor.u32 s7, s6;
	s30 =	sshrl.u32 s5, $0x1  }
0xc: {  	_ =	strace $0x80000047;
	s7 =	sshll.u32 s6, $0x4;
	s17 =	ssub.s32 s5, s30  }
0xd: {  	s31 =	sshrl.u32 s6, $0x3;
	s12 =	sadd.s32 s7, s4;
	s7 =	sor.u32 s28, s9  }
0xe: {  	s8 =	sadd.s32 s8, s31;
	s17 =	smax.u32 s17, $0x1;
	s16 =	sadd.s32 s7, s4  }
0xf: {  	s4 =	sadd.s32 s29, s2;
	s9 =	sadd.s32 $0xC00, s12;
	s10 =	sadd.s32 $0x1400, s12  }
0x10: {  	s11 =	sadd.s32 $0x1C00, s12;
	s12 =	sadd.s32 $0x2400, s12;
	s5 =	sadd.s32 $0x4000, s4  }
0x11: {  	s6 =	sadd.s32 $0x8000, s4;
	s7 =	sadd.s32 $0xC000, s4;
	s13 =	sadd.s32 $0x40C00, s16  }
0x12: {  	v0 =	vimm.f32 $0.0e+00;
	s14 =	sadd.s32 $0x41400, s16;
	s15 =	sadd.s32 $0x41C00, s16;
	s16 =	sadd.s32 $0x42400, s16  }
.LBB2_1:
0x13: {  	s28 =	simm.s32 $0x0;
	s29 =	simm.s32 $0x200  }
.LBB2_2:
0x14: {  	p0 =	sne.s32 s29, $0xFE00;
	[tilespmem:s28+$0x270] =	vst v0  }
0x15: {  	[tilespmem:s28+$0x200] =	vst v0  }
0x16: {  	[tilespmem:s28+$0x210] =	vst v0  }
.Ltmp0:
0x17: {  	[tilespmem:s28+$0x220] =	vst v0;
	(pc) =	sbr.rel @p0 .LBB2_2-.Ltmp0, $4  }
0x18: {  	[tilespmem:s28+$0x230] =	vst v0  }
0x19: {  	[tilespmem:s28+$0x240] =	vst v0  }
0x1a: {  	[tilespmem:s28+$0x250] =	vst v0  }
0x1b: {  	[tilespmem:s28+$0x260] =	vst v0;
	s28 =	sshra.s32 s29, $0x2;
	s29 =	sadd.s32 $0x200, s29  }
0x1c: {  	[tilespmem:s28+$0x270] =	vst v0  }
0x1d: {  	[tilespmem:s28+$0x200] =	vst v0  }
0x1e: {  	[tilespmem:s28+$0x210] =	vst v0  }
0x1f: {  	[tilespmem:s28+$0x220] =	vst v0  }
0x20: {  	[tilespmem:s28+$0x230] =	vst v0  }
0x21: {  	[tilespmem:s28+$0x240] =	vst v0  }
0x22: {  	[tilespmem:s28+$0x250] =	vst v0  }
0x23: {  	[tilespmem:s28+$0x260] =	vst v0  }
0x24: {  	[spmem:s4] =	stream.linear.scatter [tilespmem:s18], [sflag:$0x3], $0x4000, $0x38;
	[tilespmem:$0x18200] =	vst v63  }
0x25: {  	_ =	swait.ge [sflag:s19], $0x4000  }
0x26: {  	[sflag:s19] =	ssyncset.done $0x0  }
0x27: {  	[sflag:s19] =	ssyncadd.s32 $0xFFFFC000  }
0x28: {  	[spmem:s5] =	stream.linear.scatter [tilespmem:s18], [sflag:$0x3], $0x4000, $0x38;
	[tilespmem:$0x18200] =	vst v63  }
0x29: {  	_ =	swait.ge [sflag:s19], $0x4000  }
0x2a: {  	[sflag:s19] =	ssyncset.done $0x0  }
0x2b: {  	[sflag:s19] =	ssyncadd.s32 $0xFFFFC000  }
0x2c: {  	[spmem:s6] =	stream.linear.scatter [tilespmem:s18], [sflag:$0x3], $0x4000, $0x38;
	[tilespmem:$0x18200] =	vst v63  }
0x2d: {  	_ =	swait.ge [sflag:s19], $0x4000  }
0x2e: {  	[sflag:s19] =	ssyncset.done $0x0  }
0x2f: {  	[sflag:s19] =	ssyncadd.s32 $0xFFFFC000  }
0x30: {  	[spmem:s7] =	stream.linear.scatter [tilespmem:s18], [sflag:$0x3], $0x4000, $0x38;
	[tilespmem:$0x18200] =	vst v63  }
0x31: {  	_ =	swait.ge [sflag:s19], $0x4000  }
0x32: {  	[sflag:s19] =	ssyncset.done $0x0  }
0x33: {  	[sflag:s19] =	ssyncadd.s32 $0xFFFFC000  }
0x34: {  	[tilespmem:s3], [sflag:$0x3] =	stream.linear.gather [hbm4b:s8+s3], $0x200, $0x38;
	[tilespmem:$0x18200] =	vst v63  }
0x35: {  	_ =	swait.ge [sflag:s19], $0x200  }
0x36: {  	[sflag:s19] =	ssyncset.done $0x0  }
0x37: {  	[sflag:s19] =	ssyncadd.s32 $0xFFFFFE00  }
0x38: {  	[bflag:$0x0] =	sbarrier.arrive $0xFFFF  }
0x39: {  	[tilespmem:s18], [sflag:$0x1] =	stream.linear.gather [hbm4b:s9+s3], $0x4000, $0x38;
	[tilespmem:$0x18200] =	vst v63  }
0x3a: {  	_ =	swait.ge [sflag:s20], $0x4000  }
0x3b: {  	[sflag:s20] =	ssyncset.done $0x0  }
0x3c: {  	[sflag:s20] =	ssyncadd.s32 $0xFFFFC000  }
0x3d: {  	[tilespmem:s21], [sflag:$0x2] =	stream.linear.gather [hbm4b:s10+s3], $0x4000, $0x38;
	[tilespmem:$0x18200] =	vst v63  }
0x3e: {  	_ = 	snop  }
0x3f: {  	[spmem:s2] =	stream.indirect.scatter.add.f32 [tilespmem:s18], [sflag:$0x3], $0x80, s3, s22, $0xb8;
	[tilespmem:$0x18200] =	vst v63  }
0x40: {  	_ =	swait.ge [sflag:s19], $0x4000  }
0x41: {  	[sflag:s19] =	ssyncset.done $0x0  }
0x42: {  	[sflag:s19] =	ssyncadd.s32 $0xFFFFC000  }
0x43: {  	_ =	swait.ge [sflag:s23], $0x4000  }
0x44: {  	[sflag:s23] =	ssyncset.done $0x0  }
0x45: {  	[sflag:s23] =	ssyncadd.s32 $0xFFFFC000  }
0x46: {  	[tilespmem:s18], [sflag:$0x1] =	stream.linear.gather [hbm4b:s11+s3], $0x4000, $0x38;
	[tilespmem:$0x18200] =	vst v63  }
0x47: {  	_ = 	snop  }
0x48: {  	[spmem:s2] =	stream.indirect.scatter.add.f32 [tilespmem:s21], [sflag:$0x3], $0x80, s22, s22, $0xb8;
	[tilespmem:$0x18200] =	vst v63  }
0x49: {  	_ =	swait.ge [sflag:s19], $0x4000  }
0x4a: {  	[sflag:s19] =	ssyncset.done $0x0  }
0x4b: {  	[sflag:s19] =	ssyncadd.s32 $0xFFFFC000  }
0x4c: {  	_ =	swait.ge [sflag:s20], $0x4000  }
0x4d: {  	[sflag:s20] =	ssyncset.done $0x0  }
0x4e: {  	[sflag:s20] =	ssyncadd.s32 $0xFFFFC000  }
0x4f: {  	[tilespmem:s21], [sflag:$0x2] =	stream.linear.gather [hbm4b:s12+s3], $0x4000, $0x38;
	[tilespmem:$0x18200] =	vst v63  }
0x50: {  	_ = 	snop  }
0x51: {  	[spmem:s2] =	stream.indirect.scatter.add.f32 [tilespmem:s18], [sflag:$0x3], $0x80, s24, s22, $0xb8;
	[tilespmem:$0x18200] =	vst v63  }
0x52: {  	_ =	swait.ge [sflag:s19], $0x4000  }
0x53: {  	[sflag:s19] =	ssyncset.done $0x0  }
0x54: {  	[sflag:s19] =	ssyncadd.s32 $0xFFFFC000  }
0x55: {  	_ =	swait.ge [sflag:s23], $0x4000  }
0x56: {  	[sflag:s23] =	ssyncset.done $0x0  }
0x57: {  	[sflag:s23] =	ssyncadd.s32 $0xFFFFC000  }
0x58: {  	[spmem:s2] =	stream.indirect.scatter.add.f32 [tilespmem:s21], [sflag:$0x3], $0x80, s25, s22, $0xb8;
	[tilespmem:$0x18200] =	vst v63  }
0x59: {  	_ =	swait.ge [sflag:s19], $0x4000  }
0x5a: {  	[sflag:s19] =	ssyncset.done $0x0  }
0x5b: {  	[sflag:s19] =	ssyncadd.s32 $0xFFFFC000  }
0x5c: {  	[bflag:$0x0] =	sbarrier.arrive $0xFFFF  }
0x5d: {  	[tilespmem:s18], [sflag:$0x3] =	stream.linear.gather [spmem:s4], $0x4000, $0x38;
	[tilespmem:$0x18200] =	vst v63  }
0x5e: {  	_ =	swait.ge [sflag:s19], $0x4000  }
0x5f: {  	[sflag:s19] =	ssyncset.done $0x0  }
0x60: {  	[sflag:s19] =	ssyncadd.s32 $0xFFFFC000  }
0x61: {  	[hbm4b:s13+s3] =	stream.linear.scatter [tilespmem:s18], [sflag:$0x1], $0x4000, $0x38;
	[tilespmem:$0x18200] =	vst v63  }
0x62: {  	_ = 	snop  }
0x63: {  	[tilespmem:s21], [sflag:$0x3] =	stream.linear.gather [spmem:s5], $0x4000, $0x38;
	[tilespmem:$0x18200] =	vst v63  }
0x64: {  	_ =	swait.ge [sflag:s19], $0x4000  }
0x65: {  	[sflag:s19] =	ssyncset.done $0x0  }
0x66: {  	[sflag:s19] =	ssyncadd.s32 $0xFFFFC000  }
0x67: {  	[hbm4b:s14+s3] =	stream.linear.scatter [tilespmem:s21], [sflag:$0x2], $0x4000, $0x38;
	[tilespmem:$0x18200] =	vst v63  }
0x68: {  	_ =	swait.ge [sflag:s20], $0x4000  }
0x69: {  	[sflag:s20] =	ssyncset.done $0x0  }
0x6a: {  	[sflag:s20] =	ssyncadd.s32 $0xFFFFC000  }
0x6b: {  	[tilespmem:s18], [sflag:$0x3] =	stream.linear.gather [spmem:s6], $0x4000, $0x38;
	[tilespmem:$0x18200] =	vst v63  }
0x6c: {  	_ =	swait.ge [sflag:s19], $0x4000  }
0x6d: {  	[sflag:s19] =	ssyncset.done $0x0  }
0x6e: {  	[sflag:s19] =	ssyncadd.s32 $0xFFFFC000  }
0x6f: {  	[hbm4b:s15+s3] =	stream.linear.scatter [tilespmem:s18], [sflag:$0x1], $0x4000, $0x38;
	[tilespmem:$0x18200] =	vst v63  }
0x70: {  	_ =	swait.ge [sflag:s23], $0x4000  }
0x71: {  	[sflag:s23] =	ssyncset.done $0x0  }
0x72: {  	[sflag:s23] =	ssyncadd.s32 $0xFFFFC000  }
0x73: {  	[tilespmem:s21], [sflag:$0x3] =	stream.linear.gather [spmem:s7], $0x4000, $0x38;
	[tilespmem:$0x18200] =	vst v63  }
0x74: {  	_ =	swait.ge [sflag:s19], $0x4000  }
0x75: {  	[sflag:s19] =	ssyncset.done $0x0  }
0x76: {  	s26 =	sadd.s32 $0x1, s26;
	[sflag:s19] =	ssyncadd.s32 $0xFFFFC000  }
0x77: {  	[hbm4b:s16+s3] =	stream.linear.scatter [tilespmem:s21], [sflag:$0x2], $0x4000, $0x38;
	[tilespmem:$0x18200] =	vst v63  }
0x78: {  	p0 =	sne.s32 s26, s17;
	_ =	swait.ge [sflag:s20], $0x4000  }
.Ltmp1:
0x79: {  	[sflag:s20] =	ssyncset.done $0x0;
	(pc) =	sbr.rel @p0 .LBB2_1-.Ltmp1, $4  }
0x7a: {  	[sflag:s20] =	ssyncadd.s32 $0xFFFFC000  }
0x7b: {  	_ =	swait.ge [sflag:s23], $0x4000  }
0x7c: {  	[sflag:s23] =	ssyncset.done $0x0  }
0x7d: {  	[sflag:s23] =	ssyncadd.s32 $0xFFFFC000  }
0x7e: {  	_ =	sfence.sel $0x180000  }
0x7f: {  	[bflag:$0x0] =	sbarrier.arrive $0xFFFF  }
0x80: {  	p0 =	sne.s32 s1, $0x0;
	_ =	strace $0x90000047  }
0x81: {  	s0 =	sadd.s32 @!p0 $0x100000, s0;
	[bflag:$0x2] =	sbarrier.arrive $0xFFFF  }
0x82: {  	[sflag:s0] =	ssyncadd.tile.s32 @!p0 $0x1;
	_ =	shalt  }
.Lfunc_end2:
_tile_overlayer_lowered:
.L_overlay_start_2:
0x83: {  	(tag) =	ssettag $0x2  }
0x84: {  	s0 =	rddreg [dreg:$0x0];
	s2 =	stileid.u32  }
0x85: {  	s1 =	rddreg [dreg:$0x1];
	p0 =	sne.s32 s2, $0x0  }
0x86: {  	s3 =	rddreg [dreg:$0x2];
	[bflag:$0x3] =	sbarrier.arrive $0xFFFF;
	s2 =	simm.s32 @!p0 $0x1C03  }
0x87: {  	[timem:s3], [sflag:s2] =	dma.local @!p0 [hbm:s0], s1  }
0x88: {  	s0 =	simm.s32 @!p0 $0x3  }
0x89: {  	_ =	swait.ge @!p0 [sflag:s0], s1  }
0x8a: {  	s1 =	ssub.s32 @!p0 $0x0, s1;
	[sflag:s0] =	ssyncset.done @!p0 $0x0  }
0x8b: {  	[sflag:s0] =	ssyncadd.s32 @!p0 s1  }
0x8c: {  	[bflag:$0x3] =	sbarrier.arrive $0xFFFF  }
0x8d: {  	_ =	shalt  }

</sc_bundles>
